<compile_context>
chip_gen: v7x
topology: tpu7x:2x2x1
jax: 0.10.2.dev20260603
libtpu: 0.0.44.dev20260713+nightly
codegen_flags: <defaults>
</compile_context>

<pallas_src>
import functools

import jax
import jax.numpy as jnp
from jax import lax
from jax.experimental import pallas as pl
from jax.experimental.pallas import tpu as pltpu
from jax.experimental.pallas import tpu_sc as plsc

_B = 16384
_C = 64
_D = 100000
_MOM = 0.9
_NC = 2
_NS = 16
_NW = _NC * _NS
_RPW = 3128
_RPW_LAST = _D - (_NW - 1) * _RPW
_NSUB = 23
_RNG = 136
_LAST_RNG = _RPW_LAST - (_NSUB - 1) * _RNG
_RPAD = 144
_CPAD = 160
_CAP = 48
_NSLOT = 6
_AHEAD = 5
_L = 16


def _iota16():
    return lax.iota(jnp.int32, _L)


def _scalar(x):
    return x[0]


def _compress_store(ref, base, x, m):
    mi = m.astype(jnp.int32)
    cs = plsc.cumsum(mi)
    plsc.store_scatter(ref, [base + cs - mi], x, mask=m)


def _sload(ref, i):
    return ref[pl.ds(i, _L)][0]


_mesh = plsc.VectorSubcoreMesh(core_axis_name="c", subcore_axis_name="s")


@functools.partial(
    pl.kernel,
    out_type=jax.ShapeDtypeStruct((2, _D, _C), jnp.float32),
    mesh=_mesh,
    compiler_params=pltpu.CompilerParams(needs_layout_passes=False),
    scratch_types=[
        pltpu.VMEM((_B + _L,), jnp.int32),
        pltpu.VMEM((_RPAD, 2 * _C), jnp.float32),
        pltpu.VMEM((_NSLOT * _CPAD + _L,), jnp.float32),
        pltpu.VMEM((_B + 4 * _L,), jnp.int32),
        pltpu.VMEM((_NSLOT * _CAP + _L,), jnp.int32),
        pltpu.VMEM((_NSLOT, _CAP, 2 * _C), jnp.float32),
        pltpu.VMEM((_L, 2 * _C), jnp.float32),
        pltpu.VMEM((1, _L), jnp.int32),
        pltpu.VMEM((_RNG, _C), jnp.float32),
        pltpu.VMEM((_RNG, _C), jnp.float32),
        pltpu.VMEM((_CPAD + _L,), jnp.int32),
        pltpu.SemaphoreType.DMA,
        pltpu.SemaphoreType.DMA,
        pltpu.SemaphoreType.DMA,
        pltpu.VMEM((_NSLOT + _L,), jnp.int32),
        pltpu.SemaphoreType.DMA((_NSLOT,)),
    ],
)
def _style_update(ms_h, idx_h, mut_h, sgt_h, out_h,
                  idx_v, accum, cntring, allm, midsring, gsring, fbuf, fidx,
                  tmu, tsg, pids, sem_a, sem_b, sem_f, nsring, gsem):
    wid = lax.axis_index("s") * _NC + lax.axis_index("c")
    row0 = wid * _RPW
    is_last = wid == _NW - 1
    wlo = row0
    whi = jnp.minimum(row0 + _RPW, _D)

    zeros16 = jnp.zeros((_L,), jnp.float32)
    izeros16 = jnp.zeros((_L,), jnp.int32)
    ones = jnp.ones((_L,), jnp.float32)

    for t in range(_NSLOT * _CAP // _L + 1):
        midsring[pl.ds(t * _L, _L)] = izeros16

    pltpu.sync_copy(idx_h, idx_v.at[pl.ds(0, _B)])
    idx_v[pl.ds(_B, _L)] = jnp.full((_L,), -1, jnp.int32)

    def scan_body(g, nm):
        v = idx_v[pl.ds(g * _L, _L)]
        m = (v >= wlo) & (v < whi)
        ids = _iota16() + g * _L
        _compress_store(allm, nm, ids, m)
        return nm + _scalar(plsc.all_reduce_population_count(m))

    nm = lax.fori_loop(0, _B // _L, scan_body, jnp.int32(0))
    allm[pl.ds(nm, _L)] = jnp.full((_L,), _B, jnp.int32)
    nq = (nm + _L - 1) // _L

    def issue(k):
        slot = k % _NSLOT
        lo = row0 + k * _RNG
        hi = jnp.minimum(lo + _RNG, whi)
        cbase = slot * _CPAD
        mbase = slot * _CAP

        def zc_body(p, _):
            cntring[pl.ds(cbase + p * _L, _L)] = zeros16
            return 0
        lax.fori_loop(0, _CPAD // _L, zc_body, 0)

        def sel_body(q, ns):
            mid = allm[pl.ds(q * _L, _L)]
            d = plsc.load_gather(idx_v, [mid])
            m2 = (d >= lo) & (d < hi)
            plsc.addupdate_scatter(cntring, [cbase + d - lo], ones, mask=m2)
            mi = m2.astype(jnp.int32)
            cs = plsc.cumsum(mi)
            pos = ns + cs - mi
            plsc.store_scatter(midsring, [mbase + pos], mid,
                               mask=m2 & (pos < _CAP))
            return ns + _scalar(plsc.all_reduce_population_count(m2))

        ns = lax.fori_loop(0, nq, sel_body, jnp.int32(0))
        capn = jnp.minimum(ns, _CAP)
        for c in range(_CAP // _L):
            @pl.when(capn > c * _L)
            def _():
                pltpu.async_copy(
                    ms_h.at[midsring.at[pl.ds(mbase + c * _L, _L)]],
                    gsring.at[slot, pl.ds(c * _L, _L)], gsem.at[slot])
        lane0 = _iota16() == 0
        plsc.store_scatter(nsring, [jnp.broadcast_to(slot, (_L,))],
                           jnp.broadcast_to(ns, (_L,)), mask=lane0)

    def compute(j):
        slot = j % _NSLOT
        lo = row0 + j * _RNG
        hi = jnp.minimum(lo + _RNG, whi)
        cbase = slot * _CPAD
        mbase = slot * _CAP
        ns = _sload(nsring, slot)
        capn = jnp.minimum(ns, _CAP)
        full = jnp.logical_or(jnp.logical_not(is_last), j < _NSUB - 1)

        @pl.when(full)
        def _():
            pltpu.async_copy(mut_h.at[pl.ds(lo, _RNG)],
                             tmu.at[pl.ds(0, _RNG)], sem_a)
            pltpu.async_copy(sgt_h.at[pl.ds(lo, _RNG)],
                             tsg.at[pl.ds(0, _RNG)], sem_b)

        @pl.when(jnp.logical_not(full))
        def _():
            pltpu.async_copy(mut_h.at[pl.ds(lo, _LAST_RNG)],
                             tmu.at[pl.ds(0, _LAST_RNG)], sem_a)
            pltpu.async_copy(sgt_h.at[pl.ds(lo, _LAST_RNG)],
                             tsg.at[pl.ds(0, _LAST_RNG)], sem_b)

        def pr_body(p, np_):
            cv = cntring[pl.ds(cbase + p * _L, _L)]
            m3 = cv > 0.0
            _compress_store(pids, np_, _iota16() + p * _L, m3)
            return np_ + _scalar(plsc.all_reduce_population_count(m3))

        np_ = lax.fori_loop(0, _CPAD // _L, pr_body, jnp.int32(0))

        def za_body(jj, _):
            pid = _sload(pids, jj)
            for blk in range(8):
                accum[pid, pl.ds(blk * _L, _L)] = zeros16
            return 0
        lax.fori_loop(0, np_, za_body, 0)

        for c in range(_CAP // _L):
            @pl.when(capn > c * _L)
            def _():
                pltpu.make_async_copy(
                    ms_h.at[midsring.at[pl.ds(mbase + c * _L, _L)]],
                    gsring.at[slot, pl.ds(c * _L, _L)], gsem.at[slot]).wait()

        def acc_row(jj, _):
            mid = _sload(midsring, mbase + jj)
            ld = _sload(idx_v, mid) - lo
            for blk in range(8):
                plsc.addupdate(accum.at[ld, pl.ds(blk * _L, _L)],
                               gsring[slot, jj, pl.ds(blk * _L, _L)])
            return 0
        lax.fori_loop(0, capn, acc_row, 0)

        @pl.when(ns > _CAP)
        def _():
            def fb_body(i, seen):
                mid = _sload(allm, i)
                d = _sload(idx_v, mid)
                inr = (d >= lo) & (d < hi)
                seen2 = seen + inr.astype(jnp.int32)

                @pl.when(inr & (seen2 > _CAP))
                def _():
                    fidx[0, pl.ds(0, _L)] = jnp.broadcast_to(mid, (_L,))
                    pltpu.async_copy(ms_h.at[fidx.at[0]], fbuf,
                                     sem_f).wait()
                    ld = d - lo
                    for blk in range(8):
                        plsc.addupdate(accum.at[ld, pl.ds(blk * _L, _L)],
                                       fbuf[0, pl.ds(blk * _L, _L)])
                return seen2
            lax.fori_loop(0, nm, fb_body, jnp.int32(0))

        @pl.when(full)
        def _():
            pltpu.make_async_copy(mut_h.at[pl.ds(lo, _RNG)],
                                  tmu.at[pl.ds(0, _RNG)], sem_a).wait()
            pltpu.make_async_copy(sgt_h.at[pl.ds(lo, _RNG)],
                                  tsg.at[pl.ds(0, _RNG)], sem_b).wait()

        @pl.when(jnp.logical_not(full))
        def _():
            pltpu.make_async_copy(mut_h.at[pl.ds(lo, _LAST_RNG)],
                                  tmu.at[pl.ds(0, _LAST_RNG)], sem_a).wait()
            pltpu.make_async_copy(sgt_h.at[pl.ds(lo, _LAST_RNG)],
                                  tsg.at[pl.ds(0, _LAST_RNG)], sem_b).wait()

        def ema_row(jj, _):
            pid = _sload(pids, jj)
            cj = _sload(cntring, cbase + pid)
            fv = (1.0 - _MOM) / jnp.broadcast_to(cj, (_L,))
            for blk in range(4):
                sl = pl.ds(blk * _L, _L)
                tmu[pid, sl] = _MOM * tmu[pid, sl] + fv * accum[pid, sl]
                tsg[pid, sl] = (_MOM * tsg[pid, sl]
                                + fv * accum[pid, pl.ds(_C + blk * _L, _L)])
            return 0
        lax.fori_loop(0, np_, ema_row, 0)

        @pl.when(full)
        def _():
            w0 = pltpu.async_copy(tmu.at[pl.ds(0, _RNG)],
                                  out_h.at[0, pl.ds(lo, _RNG)], sem_a)
            w1 = pltpu.async_copy(tsg.at[pl.ds(0, _RNG)],
                                  out_h.at[1, pl.ds(lo, _RNG)], sem_b)
            w0.wait()
            w1.wait()

        @pl.when(jnp.logical_not(full))
        def _():
            w0 = pltpu.async_copy(tmu.at[pl.ds(0, _LAST_RNG)],
                                  out_h.at[0, pl.ds(lo, _LAST_RNG)], sem_a)
            w1 = pltpu.async_copy(tsg.at[pl.ds(0, _LAST_RNG)],
                                  out_h.at[1, pl.ds(lo, _LAST_RNG)], sem_b)
            w0.wait()
            w1.wait()

    def pipe_body(kk, _):
        @pl.when(kk < _NSUB)
        def _():
            issue(kk)

        @pl.when(kk >= _AHEAD)
        def _():
            compute(kk - _AHEAD)
        return 0

    lax.fori_loop(0, _NSUB + _AHEAD, pipe_body, 0)


def kernel(mu, sig, domain_idx, mu_table, sig_table, layer_idx=0):
    del layer_idx
    ms = jnp.concatenate([mu, sig], axis=1)
    return _style_update(ms, domain_idx, mu_table, sig_table)

# --- scband reference (transcript-rebuilt; emitter-appended) ---
"""Pipeline reference for scband-style-statistics-42322607735124 (READ-ONLY COPY).

The authoritative reference and input builder live on the scoring server;
editing this copy changes nothing except your own understanding.
"""

import jax, jax.numpy as jnp
import numpy as np

B = 16384
C = 64
D = 100000
MOM = 0.9

def setup_inputs(seed: int = 0):
    key = jax.random.key(seed)
    k1, k2, k3, k4, k5 = jax.random.split(key, 5)
    mu = jax.random.normal(k1, (B, C), dtype=jnp.float32)
    sig = jax.random.uniform(k2, (B, C), dtype=jnp.float32) + 0.1
    domain_idx = jax.random.randint(k3, (B,), 0, D, dtype=jnp.int32)
    mu_table = jax.random.normal(k4, (D, C), dtype=jnp.float32)
    sig_table = jax.random.uniform(k5, (D, C), dtype=jnp.float32) + 0.5
    return {"mu": mu, "sig": sig, "domain_idx": domain_idx, "mu_table": mu_table, "sig_table": sig_table, "layer_idx": 0}

def reference(mu, sig, domain_idx, mu_table, sig_table, layer_idx=0):
    # StyleStatistics batched EMA update (mode='single', steady-state momentum).
    # Per-domain mean of batch statistics via segment-sum, then EMA scatter-update
    # of the per-domain style tables; domains not present in the batch keep old stats.
    num_domains = mu_table.shape[0]
    mu = mu.reshape(mu.shape[0], mu.shape[1]) if mu.ndim == 4 else mu
    sig = sig.reshape(sig.shape[0], sig.shape[1]) if sig.ndim == 4 else sig
    ones = jnp.ones((mu.shape[0],), dtype=jnp.float32)
    cnt = jax.ops.segment_sum(ones, domain_idx, num_segments=num_domains)
    sum_mu = jax.ops.segment_sum(mu, domain_idx, num_segments=num_domains)
    sum_sig = jax.ops.segment_sum(sig, domain_idx, num_segments=num_domains)
    denom = jnp.maximum(cnt, 1.0)[:, None]
    mean_mu = sum_mu / denom
    mean_sig = sum_sig / denom
    present = (cnt > 0)[:, None]
    new_mu = jnp.where(present, MOM * mu_table + (1.0 - MOM) * mean_mu, mu_table)
    new_sig = jnp.where(present, MOM * sig_table + (1.0 - MOM) * mean_sig, sig_table)
    return jnp.stack([new_mu, new_sig])

if __name__ == "__main__":
    import jax
    _d = setup_inputs()
    print(jax.jit(kernel)(*tuple(_d.values())))

</pallas_src>

<mosaic_0001>
#map = affine_map<(d0, d1) -> (0, 0)>
#map1 = affine_map<(d0, d1) -> (0)>
#map2 = affine_map<(d0, d1) -> (0, 0, 0)>
module attributes {stable_mosaic.version = 14 : i64} {
  func.func @_style_update(%arg0: i32, %arg1: i32, %arg2: memref<16384x128xf32, #tpu.memory_space<hbm>>, %arg3: memref<16384xi32, #tpu.memory_space<hbm>>, %arg4: memref<100000x64xf32, #tpu.memory_space<hbm>>, %arg5: memref<100000x64xf32, #tpu.memory_space<hbm>>, %arg6: memref<2x100000x64xf32, #tpu.memory_space<hbm>>, %arg7: memref<16400xi32, #tpu.memory_space<vmem>>, %arg8: memref<144x128xf32, #tpu.memory_space<vmem>>, %arg9: memref<976xf32, #tpu.memory_space<vmem>>, %arg10: memref<16448xi32, #tpu.memory_space<vmem>>, %arg11: memref<304xi32, #tpu.memory_space<vmem>>, %arg12: memref<6x48x128xf32, #tpu.memory_space<vmem>>, %arg13: memref<16x128xf32, #tpu.memory_space<vmem>>, %arg14: memref<1x16xi32, #tpu.memory_space<vmem>>, %arg15: memref<136x64xf32, #tpu.memory_space<vmem>>, %arg16: memref<136x64xf32, #tpu.memory_space<vmem>>, %arg17: memref<176xi32, #tpu.memory_space<vmem>>, %arg18: memref<!tpu.dma_semaphore, #tpu.memory_space<semaphore_mem>>, %arg19: memref<!tpu.dma_semaphore, #tpu.memory_space<semaphore_mem>>, %arg20: memref<!tpu.dma_semaphore, #tpu.memory_space<semaphore_mem>>, %arg21: memref<22xi32, #tpu.memory_space<vmem>>, %arg22: memref<6x!tpu.dma_semaphore, #tpu.memory_space<semaphore_mem>>) attributes {dimension_semantics = [#tpu.dimension_semantics<core_parallel>, #tpu.dimension_semantics<subcore_parallel>], iteration_bounds = array<i64: 2, 16>, scalar_prefetch = 0 : i64, scratch_operands = 16 : i64, tpu.core_type = #tpu.core_type<sc_vector_subcore>, window_params = [{transform_indices = #map}, {transform_indices = #map1}, {transform_indices = #map}, {transform_indices = #map}, {transform_indices = #map2}]} {
    %mul3A = arith.constant 2 : i32
    %mul3A_0 = arith.muli %arg1, %mul3A : i32
    %add3A = arith.addi %mul3A_0, %arg0 : i32
    %mul3A_1 = arith.constant 3128 : i32
    %mul3A_2 = arith.muli %add3A, %mul3A_1 : i32
    %eq3A = arith.constant 31 : i32
    %eq3A_3 = arith.cmpi eq, %add3A, %eq3A : i32
    %add3A_4 = arith.constant 3128 : i32
    %add3A_5 = arith.addi %mul3A_2, %add3A_4 : i32
    %min3A = arith.constant 100000 : i32
    %min3A_6 = arith.minsi %add3A_5, %min3A : i32
    %broadcast_in_dim3A = arith.constant 0.000000e+00 : f32
    %broadcast_in_dim3A_7 = vector.broadcast %broadcast_in_dim3A : f32 to vector<16xf32>
    %broadcast_in_dim3A_8 = arith.constant 0 : i32
    %broadcast_in_dim3A_9 = vector.broadcast %broadcast_in_dim3A_8 : i32 to vector<16xi32>
    %broadcast_in_dim3A_10 = arith.constant 1.000000e+00 : f32
    %broadcast_in_dim3A_11 = vector.broadcast %broadcast_in_dim3A_10 : f32 to vector<16xf32>
    %swap3A = arith.constant 0 : index
    %swap3A_12 = tpu.vector_load %arg11[%swap3A] {strides = array<i32>} : memref<304xi32, #tpu.memory_space<vmem>>, vector<16xi32>,
    tpu.vector_store %arg11[%swap3A], %broadcast_in_dim3A_9 {strides = array<i32>} : memref<304xi32, #tpu.memory_space<vmem>>, vector<16xi32>,
    %swap3A_13 = arith.constant 16 : index
    %swap3A_14 = tpu.vector_load %arg11[%swap3A_13] {strides = array<i32>} : memref<304xi32, #tpu.memory_space<vmem>>, vector<16xi32>,
    tpu.vector_store %arg11[%swap3A_13], %broadcast_in_dim3A_9 {strides = array<i32>} : memref<304xi32, #tpu.memory_space<vmem>>, vector<16xi32>,
    %swap3A_15 = arith.constant 32 : index
    %swap3A_16 = tpu.vector_load %arg11[%swap3A_15] {strides = array<i32>} : memref<304xi32, #tpu.memory_space<vmem>>, vector<16xi32>,
    tpu.vector_store %arg11[%swap3A_15], %broadcast_in_dim3A_9 {strides = array<i32>} : memref<304xi32, #tpu.memory_space<vmem>>, vector<16xi32>,
    %swap3A_17 = arith.constant 48 : index
    %swap3A_18 = tpu.vector_load %arg11[%swap3A_17] {strides = array<i32>} : memref<304xi32, #tpu.memory_space<vmem>>, vector<16xi32>,
    tpu.vector_store %arg11[%swap3A_17], %broadcast_in_dim3A_9 {strides = array<i32>} : memref<304xi32, #tpu.memory_space<vmem>>, vector<16xi32>,
    %swap3A_19 = arith.constant 64 : index
    %swap3A_20 = tpu.vector_load %arg11[%swap3A_19] {strides = array<i32>} : memref<304xi32, #tpu.memory_space<vmem>>, vector<16xi32>,
    tpu.vector_store %arg11[%swap3A_19], %broadcast_in_dim3A_9 {strides = array<i32>} : memref<304xi32, #tpu.memory_space<vmem>>, vector<16xi32>,
    %swap3A_21 = arith.constant 80 : index
    %swap3A_22 = tpu.vector_load %arg11[%swap3A_21] {strides = array<i32>} : memref<304xi32, #tpu.memory_space<vmem>>, vector<16xi32>,
    tpu.vector_store %arg11[%swap3A_21], %broadcast_in_dim3A_9 {strides = array<i32>} : memref<304xi32, #tpu.memory_space<vmem>>, vector<16xi32>,
    %swap3A_23 = arith.constant 96 : index
    %swap3A_24 = tpu.vector_load %arg11[%swap3A_23] {strides = array<i32>} : memref<304xi32, #tpu.memory_space<vmem>>, vector<16xi32>,
    tpu.vector_store %arg11[%swap3A_23], %broadcast_in_dim3A_9 {strides = array<i32>} : memref<304xi32, #tpu.memory_space<vmem>>, vector<16xi32>,
    %swap3A_25 = arith.constant 112 : index
    %swap3A_26 = tpu.vector_load %arg11[%swap3A_25] {strides = array<i32>} : memref<304xi32, #tpu.memory_space<vmem>>, vector<16xi32>,
    tpu.vector_store %arg11[%swap3A_25], %broadcast_in_dim3A_9 {strides = array<i32>} : memref<304xi32, #tpu.memory_space<vmem>>, vector<16xi32>,
    %swap3A_27 = arith.constant 128 : index
    %swap3A_28 = tpu.vector_load %arg11[%swap3A_27] {strides = array<i32>} : memref<304xi32, #tpu.memory_space<vmem>>, vector<16xi32>,
    tpu.vector_store %arg11[%swap3A_27], %broadcast_in_dim3A_9 {strides = array<i32>} : memref<304xi32, #tpu.memory_space<vmem>>, vector<16xi32>,
    %swap3A_29 = arith.constant 144 : index
    %swap3A_30 = tpu.vector_load %arg11[%swap3A_29] {strides = array<i32>} : memref<304xi32, #tpu.memory_space<vmem>>, vector<16xi32>,
    tpu.vector_store %arg11[%swap3A_29], %broadcast_in_dim3A_9 {strides = array<i32>} : memref<304xi32, #tpu.memory_space<vmem>>, vector<16xi32>,
    %swap3A_31 = arith.constant 160 : index
    %swap3A_32 = tpu.vector_load %arg11[%swap3A_31] {strides = array<i32>} : memref<304xi32, #tpu.memory_space<vmem>>, vector<16xi32>,
    tpu.vector_store %arg11[%swap3A_31], %broadcast_in_dim3A_9 {strides = array<i32>} : memref<304xi32, #tpu.memory_space<vmem>>, vector<16xi32>,
    %swap3A_33 = arith.constant 176 : index
    %swap3A_34 = tpu.vector_load %arg11[%swap3A_33] {strides = array<i32>} : memref<304xi32, #tpu.memory_space<vmem>>, vector<16xi32>,
    tpu.vector_store %arg11[%swap3A_33], %broadcast_in_dim3A_9 {strides = array<i32>} : memref<304xi32, #tpu.memory_space<vmem>>, vector<16xi32>,
    %swap3A_35 = arith.constant 192 : index
    %swap3A_36 = tpu.vector_load %arg11[%swap3A_35] {strides = array<i32>} : memref<304xi32, #tpu.memory_space<vmem>>, vector<16xi32>,
    tpu.vector_store %arg11[%swap3A_35], %broadcast_in_dim3A_9 {strides = array<i32>} : memref<304xi32, #tpu.memory_space<vmem>>, vector<16xi32>,
    %swap3A_37 = arith.constant 208 : index
    %swap3A_38 = tpu.vector_load %arg11[%swap3A_37] {strides = array<i32>} : memref<304xi32, #tpu.memory_space<vmem>>, vector<16xi32>,
    tpu.vector_store %arg11[%swap3A_37], %broadcast_in_dim3A_9 {strides = array<i32>} : memref<304xi32, #tpu.memory_space<vmem>>, vector<16xi32>,
    %swap3A_39 = arith.constant 224 : index
    %swap3A_40 = tpu.vector_load %arg11[%swap3A_39] {strides = array<i32>} : memref<304xi32, #tpu.memory_space<vmem>>, vector<16xi32>,
    tpu.vector_store %arg11[%swap3A_39], %broadcast_in_dim3A_9 {strides = array<i32>} : memref<304xi32, #tpu.memory_space<vmem>>, vector<16xi32>,
    %swap3A_41 = arith.constant 240 : index
    %swap3A_42 = tpu.vector_load %arg11[%swap3A_41] {strides = array<i32>} : memref<304xi32, #tpu.memory_space<vmem>>, vector<16xi32>,
    tpu.vector_store %arg11[%swap3A_41], %broadcast_in_dim3A_9 {strides = array<i32>} : memref<304xi32, #tpu.memory_space<vmem>>, vector<16xi32>,
    %swap3A_43 = arith.constant 256 : index
    %swap3A_44 = tpu.vector_load %arg11[%swap3A_43] {strides = array<i32>} : memref<304xi32, #tpu.memory_space<vmem>>, vector<16xi32>,
    tpu.vector_store %arg11[%swap3A_43], %broadcast_in_dim3A_9 {strides = array<i32>} : memref<304xi32, #tpu.memory_space<vmem>>, vector<16xi32>,
    %swap3A_45 = arith.constant 272 : index
    %swap3A_46 = tpu.vector_load %arg11[%swap3A_45] {strides = array<i32>} : memref<304xi32, #tpu.memory_space<vmem>>, vector<16xi32>,
    tpu.vector_store %arg11[%swap3A_45], %broadcast_in_dim3A_9 {strides = array<i32>} : memref<304xi32, #tpu.memory_space<vmem>>, vector<16xi32>,
    %swap3A_47 = arith.constant 288 : index
    %swap3A_48 = tpu.vector_load %arg11[%swap3A_47] {strides = array<i32>} : memref<304xi32, #tpu.memory_space<vmem>>, vector<16xi32>,
    tpu.vector_store %arg11[%swap3A_47], %broadcast_in_dim3A_9 {strides = array<i32>} : memref<304xi32, #tpu.memory_space<vmem>>, vector<16xi32>,
    "tpu.region"() ({
      %run_scoped3A = tpu.sem_alloc : memref<!tpu.dma_semaphore, #tpu.memory_space<semaphore_mem>>
      %dma_start3A = arith.constant 0 : i32
      %dma_start3A_90 = tpu.memref_slice %arg7[%dma_start3A] : memref<16400xi32, #tpu.memory_space<vmem>> -> memref<16384xi32, #tpu.memory_space<vmem>>
      %dma_start3A_91 = arith.constant 0 : i32
      %dma_start3A_92 = tpu.memref_slice %arg7[%dma_start3A_91] : memref<16400xi32, #tpu.memory_space<vmem>> -> memref<16384xi32, #tpu.memory_space<vmem>>
      tpu.enqueue_dma source(%arg3 : memref<16384xi32, #tpu.memory_space<hbm>>) target(%dma_start3A_92 : memref<16384xi32, #tpu.memory_space<vmem>>) target_semaphore(%run_scoped3A : memref<!tpu.dma_semaphore, #tpu.memory_space<semaphore_mem>>)
      %dma_wait3A = arith.constant 0 : i32
      %dma_wait3A_93 = tpu.memref_slice %arg7[%dma_wait3A] : memref<16400xi32, #tpu.memory_space<vmem>> -> memref<16384xi32, #tpu.memory_space<vmem>>
      %dma_wait3A_94 = arith.constant 0 : i32
      %dma_wait3A_95 = tpu.memref_slice %arg7[%dma_wait3A_94] : memref<16400xi32, #tpu.memory_space<vmem>> -> memref<16384xi32, #tpu.memory_space<vmem>>
      tpu.wait_dma2 semaphore(%run_scoped3A : memref<!tpu.dma_semaphore, #tpu.memory_space<semaphore_mem>>) src(%arg3 : memref<16384xi32, #tpu.memory_space<hbm>>) dst(%dma_wait3A_95 : memref<16384xi32, #tpu.memory_space<vmem>>)
      tpu.yield
    }) : () -> ()
    %broadcast_in_dim3A_49 = arith.constant -1 : i32
    %broadcast_in_dim3A_50 = vector.broadcast %broadcast_in_dim3A_49 : i32 to vector<16xi32>
    %swap3A_51 = arith.constant 16384 : index
    %swap3A_52 = tpu.vector_load %arg7[%swap3A_51] {strides = array<i32>} : memref<16400xi32, #tpu.memory_space<vmem>>, vector<16xi32>,
    tpu.vector_store %arg7[%swap3A_51], %broadcast_in_dim3A_50 {strides = array<i32>} : memref<16400xi32, #tpu.memory_space<vmem>>, vector<16xi32>,
    %scan3A = arith.constant 0 : i32
    %scan3A_53 = arith.constant 0 : i32
    %scan3A_54 = arith.constant 1024 : i32
    %scan3A_55 = arith.addi %scan3A_53, %scan3A_54 : i32
    %scan3A_56 = arith.constant 1 : i32
    %scan3A_57 = scf.for %scan3A_90 = %scan3A_53 to %scan3A_55 step %scan3A_56 iter_args(%scan3A_91 = %scan3A) -> (i32)  : i32 {
      %mul3A_92 = arith.constant 16 : i32
      %mul3A_93 = arith.muli %scan3A_90, %mul3A_92 : i32
      %get3A = arith.index_cast %mul3A_93 : i32 to index
      %get3A_94 = tpu.vector_load %arg7[%get3A] {strides = array<i32>} : memref<16400xi32, #tpu.memory_space<vmem>>, vector<16xi32>,
      %ge3A = vector.broadcast %mul3A_2 : i32 to vector<16xi32>
      %ge3A_95 = arith.cmpi sge, %get3A_94, %ge3A : vector<16xi32>
      %lt3A = vector.broadcast %min3A_6 : i32 to vector<16xi32>
      %lt3A_96 = arith.cmpi slt, %get3A_94, %lt3A : vector<16xi32>
      %and3A_97 = arith.andi %ge3A_95, %lt3A_96 : vector<16xi1>
      %iota3A = tpu.iota {dimensions = array<i32: 0>} : vector<16xi32>
      %mul3A_98 = arith.constant 16 : i32
      %mul3A_99 = arith.muli %scan3A_90, %mul3A_98 : i32
      %add3A_100 = vector.broadcast %mul3A_99 : i32 to vector<16xi32>
      %add3A_101 = arith.addi %iota3A, %add3A_100 : vector<16xi32>
      %convert_element_type3A = arith.extui %and3A_97 : vector<16xi1> to vector<16xi32>
      %broadcast_in_dim3A_102 = arith.constant true
      %broadcast_in_dim3A_103 = vector.broadcast %broadcast_in_dim3A_102 : i1 to vector<16xi1>
      %masked_cumsum3A = tpu.scan <sum>, %convert_element_type3A masked %broadcast_in_dim3A_103 : vector<16xi32>, vector<16xi1> -> vector<16xi32>
      %add3A_104 = vector.broadcast %scan3A_91 : i32 to vector<16xi32>
      %add3A_105 = arith.addi %add3A_104, %masked_cumsum3A : vector<16xi32>
      %sub3A_106 = arith.subi %add3A_105, %convert_element_type3A : vector<16xi32>
      tpu.vector_store_idx %arg10[%sub3A_106], %add3A_101 masked %and3A_97 : memref<16448xi32, #tpu.memory_space<vmem>>[vector<16xi32>], vector<16xi32>, vector<16xi1>
      %all_reduce_population_count3A = tpu.all_reduce %and3A_97 {dim = 0 : i64, kind = #tpu.reduction_kind<sum>} : vector<16xi1> -> vector<16xi32>
      %slice3A = vector.extract_strided_slice %all_reduce_population_count3A {offsets = [0], sizes = [1], strides = [1]} : vector<16xi32> to vector<1xi32>
      %squeeze3A = vector.extract %slice3A[0] : i32 from vector<1xi32>
      %add3A_107 = arith.addi %scan3A_91, %squeeze3A : i32
      scf.yield %add3A_107 : i32
    }
    %scan3A_58 = arith.constant 1024 : i32
    %broadcast_in_dim3A_59 = arith.constant 16384 : i32
    %broadcast_in_dim3A_60 = vector.broadcast %broadcast_in_dim3A_59 : i32 to vector<16xi32>
    %swap3A_61 = arith.index_cast %scan3A_57 : i32 to index
    %swap3A_62 = tpu.vector_load %arg10[%swap3A_61] {strides = array<i32>} : memref<16448xi32, #tpu.memory_space<vmem>>, vector<16xi32>,
    tpu.vector_store %arg10[%swap3A_61], %broadcast_in_dim3A_60 {strides = array<i32>} : memref<16448xi32, #tpu.memory_space<vmem>>, vector<16xi32>,
    %add3A_63 = arith.constant 16 : i32
    %add3A_64 = arith.addi %scan3A_57, %add3A_63 : i32
    %sub3A = arith.constant 1 : i32
    %sub3A_65 = arith.subi %add3A_64, %sub3A : i32
    %jit3A = arith.constant 16 : i32
    %div3A = arith.divsi %sub3A_65, %jit3A : i32
    %sign3A = arith.constant 0 : i32
    %sign3A_66 = arith.cmpi sgt, %sub3A_65, %sign3A : i32
    %sign3A_67 = arith.extui %sign3A_66 : i1 to i32
    %sign3A_68 = arith.constant 0 : i32
    %sign3A_69 = arith.cmpi slt, %sub3A_65, %sign3A_68 : i32
    %sign3A_70 = arith.extui %sign3A_69 : i1 to i32
    %sign3A_71 = arith.subi %sign3A_67, %sign3A_70 : i32
    %sign3A_72 = arith.constant 0 : i32
    %sign3A_73 = arith.cmpi sgt, %jit3A, %sign3A_72 : i32
    %sign3A_74 = arith.extui %sign3A_73 : i1 to i32
    %sign3A_75 = arith.constant 0 : i32
    %sign3A_76 = arith.cmpi slt, %jit3A, %sign3A_75 : i32
    %sign3A_77 = arith.extui %sign3A_76 : i1 to i32
    %sign3A_78 = arith.subi %sign3A_74, %sign3A_77 : i32
    %ne3A = arith.cmpi ne, %sign3A_71, %sign3A_78 : i32
    %rem3A = arith.remsi %sub3A_65, %jit3A : i32
    %ne3A_79 = arith.constant 0 : i32
    %ne3A_80 = arith.cmpi ne, %rem3A, %ne3A_79 : i32
    %and3A = arith.andi %ne3A, %ne3A_80 : i1
    %sub3A_81 = arith.constant 1 : i32
    %sub3A_82 = arith.subi %div3A, %sub3A_81 : i32
    %select_n3A = arith.select %and3A, %sub3A_82, %div3A : i32
    %scan3A_83 = arith.constant 0 : i32
    %scan3A_84 = arith.constant 0 : i32
    %scan3A_85 = arith.constant 28 : i32
    %scan3A_86 = arith.addi %scan3A_84, %scan3A_85 : i32
    %scan3A_87 = arith.constant 1 : i32
    %scan3A_88 = scf.for %scan3A_90 = %scan3A_84 to %scan3A_86 step %scan3A_87 iter_args(%scan3A_91 = %scan3A_83) -> (i32)  : i32 {
      %lt3A = arith.constant 23 : i32
      %lt3A_92 = arith.cmpi slt, %scan3A_90, %lt3A : i32
      %convert_element_type3A = arith.extui %lt3A_92 : i1 to i32
      %cond3A = arith.constant 0 : i32
      %cond3A_93 = arith.cmpi ne, %convert_element_type3A, %cond3A : i32
      scf.if %cond3A_93 {
        %jit3A_99 = arith.constant 6 : i32
        %eq3A_100 = arith.constant 0 : i32
        %eq3A_101 = arith.cmpi eq, %jit3A_99, %eq3A_100 : i32
        %jit3A_102 = arith.constant 1 : i32
        %select_n3A_103 = arith.select %eq3A_101, %jit3A_102, %jit3A_99 : i32
        %rem3A_104 = arith.remsi %scan3A_90, %select_n3A_103 : i32
        %ne3A_105 = arith.constant 0 : i32
        %ne3A_106 = arith.cmpi ne, %rem3A_104, %ne3A_105 : i32
        %lt3A_107 = arith.constant 0 : i32
        %lt3A_108 = arith.cmpi slt, %rem3A_104, %lt3A_107 : i32
        %lt3A_109 = arith.constant 0 : i32
        %lt3A_110 = arith.cmpi slt, %select_n3A_103, %lt3A_109 : i32
        %ne3A_111 = arith.xori %lt3A_108, %lt3A_110 : i1
        %and3A_112 = arith.andi %ne3A_111, %ne3A_106 : i1
        %add3A_113 = arith.addi %rem3A_104, %select_n3A_103 : i32
        %select_n3A_114 = arith.select %and3A_112, %add3A_113, %rem3A_104 : i32
        %mul3A_115 = arith.constant 136 : i32
        %mul3A_116 = arith.muli %scan3A_90, %mul3A_115 : i32
        %add3A_117 = arith.addi %mul3A_2, %mul3A_116 : i32
        %add3A_118 = arith.constant 136 : i32
        %add3A_119 = arith.addi %add3A_117, %add3A_118 : i32
        %min3A_120 = arith.minsi %add3A_119, %min3A_6 : i32
        %mul3A_121 = arith.constant 160 : i32
        %mul3A_122 = arith.muli %select_n3A_114, %mul3A_121 : i32
        %mul3A_123 = arith.constant 48 : i32
        %mul3A_124 = arith.muli %select_n3A_114, %mul3A_123 : i32
        %scan3A_125 = arith.constant 0 : i32
        %scan3A_126 = arith.constant 0 : i32
        %scan3A_127 = arith.constant 10 : i32
        %scan3A_128 = arith.addi %scan3A_126, %scan3A_127 : i32
        %scan3A_129 = arith.constant 1 : i32
        %scan3A_130 = scf.for %scan3A_164 = %scan3A_126 to %scan3A_128 step %scan3A_129 iter_args(%scan3A_165 = %scan3A_125) -> (i32)  : i32 {
          %mul3A_166 = arith.constant 16 : i32
          %mul3A_167 = arith.muli %scan3A_164, %mul3A_166 : i32
          %add3A_168 = arith.addi %mul3A_122, %mul3A_167 : i32
          %swap3A_169 = arith.index_cast %add3A_168 : i32 to index
          %swap3A_170 = tpu.vector_load %arg9[%swap3A_169] {strides = array<i32>} : memref<976xf32, #tpu.memory_space<vmem>>, vector<16xf32>,
          tpu.vector_store %arg9[%swap3A_169], %broadcast_in_dim3A_7 {strides = array<i32>} : memref<976xf32, #tpu.memory_space<vmem>>, vector<16xf32>,
          %scan3A_171 = arith.constant 0 : i32
          scf.yield %scan3A_171 : i32
        }
        %scan3A_131 = arith.constant 10 : i32
        %while3A = arith.constant 0 : i32
        %while3A_132 = arith.constant 0 : i32
        %while3A_133 = arith.subi %select_n3A, %while3A : i32
        %while3A_134 = arith.addi %while3A, %while3A_133 : i32
        %while3A_135 = arith.constant 1 : i32
        %while3A_136 = arith.divsi %while3A_133, %while3A_135 : i32
        %while3A_137 = arith.muli %while3A_136, %while3A_135 : i32
        %while3A_138 = arith.addi %while3A, %while3A_137 : i32
        %while3A_139 = arith.constant 1 : i32
        %while3A_140 = scf.for %while3A_164 = %while3A to %while3A_138 step %while3A_139 iter_args(%while3A_165 = %while3A_132) -> (i32)  : i32 {
          %mul3A_166 = arith.constant 16 : i32
          %mul3A_167 = arith.muli %while3A_164, %mul3A_166 : i32
          %get3A = arith.index_cast %mul3A_167 : i32 to index
          %get3A_168 = tpu.vector_load %arg10[%get3A] {strides = array<i32>} : memref<16448xi32, #tpu.memory_space<vmem>>, vector<16xi32>,
          %gather3A = tpu.vector_load_idx %arg7[%get3A_168] : memref<16400xi32, #tpu.memory_space<vmem>>[vector<16xi32>], vector<16xi32>,
          %ge3A_169 = vector.broadcast %add3A_117 : i32 to vector<16xi32>
          %ge3A_170 = arith.cmpi sge, %gather3A, %ge3A_169 : vector<16xi32>
          %lt3A_171 = vector.broadcast %min3A_120 : i32 to vector<16xi32>
          %lt3A_172 = arith.cmpi slt, %gather3A, %lt3A_171 : vector<16xi32>
          %and3A_173 = arith.andi %ge3A_170, %lt3A_172 : vector<16xi1>
          %add3A_174 = vector.broadcast %mul3A_122 : i32 to vector<16xi32>
          %add3A_175 = arith.addi %add3A_174, %gather3A : vector<16xi32>
          %sub3A_176 = vector.broadcast %add3A_117 : i32 to vector<16xi32>
          %sub3A_177 = arith.subi %add3A_175, %sub3A_176 : vector<16xi32>
          tpu.vector_store_idx %arg9[%sub3A_177], %broadcast_in_dim3A_11 masked %and3A_173 {add = true} : memref<976xf32, #tpu.memory_space<vmem>>[vector<16xi32>], vector<16xf32>, vector<16xi1>
          %convert_element_type3A_178 = arith.extui %and3A_173 : vector<16xi1> to vector<16xi32>
          %broadcast_in_dim3A_179 = arith.constant true
          %broadcast_in_dim3A_180 = vector.broadcast %broadcast_in_dim3A_179 : i1 to vector<16xi1>
          %masked_cumsum3A = tpu.scan <sum>, %convert_element_type3A_178 masked %broadcast_in_dim3A_180 : vector<16xi32>, vector<16xi1> -> vector<16xi32>
          %add3A_181 = vector.broadcast %while3A_165 : i32 to vector<16xi32>
          %add3A_182 = arith.addi %add3A_181, %masked_cumsum3A : vector<16xi32>
          %sub3A_183 = arith.subi %add3A_182, %convert_element_type3A_178 : vector<16xi32>
          %add3A_184 = vector.broadcast %mul3A_124 : i32 to vector<16xi32>
          %add3A_185 = arith.addi %add3A_184, %sub3A_183 : vector<16xi32>
          %lt3A_186 = arith.constant 48 : i32
          %lt3A_187 = vector.broadcast %lt3A_186 : i32 to vector<16xi32>
          %lt3A_188 = arith.cmpi slt, %sub3A_183, %lt3A_187 : vector<16xi32>
          %and3A_189 = arith.andi %and3A_173, %lt3A_188 : vector<16xi1>
          tpu.vector_store_idx %arg11[%add3A_185], %get3A_168 masked %and3A_189 : memref<304xi32, #tpu.memory_space<vmem>>[vector<16xi32>], vector<16xi32>, vector<16xi1>
          %all_reduce_population_count3A = tpu.all_reduce %and3A_173 {dim = 0 : i64, kind = #tpu.reduction_kind<sum>} : vector<16xi1> -> vector<16xi32>
          %slice3A = vector.extract_strided_slice %all_reduce_population_count3A {offsets = [0], sizes = [1], strides = [1]} : vector<16xi32> to vector<1xi32>
          %squeeze3A = vector.extract %slice3A[0] : i32 from vector<1xi32>
          %add3A_190 = arith.addi %while3A_165, %squeeze3A : i32
          scf.yield %add3A_190 : i32
        }
        %while3A_141 = arith.constant 1 : i32
        %while3A_142 = scf.for %while3A_164 = %while3A_138 to %while3A_134 step %while3A_141 iter_args(%while3A_165 = %while3A_140) -> (i32)  : i32 {
          %mul3A_166 = arith.constant 16 : i32
          %mul3A_167 = arith.muli %while3A_164, %mul3A_166 : i32
          %get3A = arith.index_cast %mul3A_167 : i32 to index
          %get3A_168 = tpu.vector_load %arg10[%get3A] {strides = array<i32>} : memref<16448xi32, #tpu.memory_space<vmem>>, vector<16xi32>,
          %gather3A = tpu.vector_load_idx %arg7[%get3A_168] : memref<16400xi32, #tpu.memory_space<vmem>>[vector<16xi32>], vector<16xi32>,
          %ge3A_169 = vector.broadcast %add3A_117 : i32 to vector<16xi32>
          %ge3A_170 = arith.cmpi sge, %gather3A, %ge3A_169 : vector<16xi32>
          %lt3A_171 = vector.broadcast %min3A_120 : i32 to vector<16xi32>
          %lt3A_172 = arith.cmpi slt, %gather3A, %lt3A_171 : vector<16xi32>
          %and3A_173 = arith.andi %ge3A_170, %lt3A_172 : vector<16xi1>
          %add3A_174 = vector.broadcast %mul3A_122 : i32 to vector<16xi32>
          %add3A_175 = arith.addi %add3A_174, %gather3A : vector<16xi32>
          %sub3A_176 = vector.broadcast %add3A_117 : i32 to vector<16xi32>
          %sub3A_177 = arith.subi %add3A_175, %sub3A_176 : vector<16xi32>
          tpu.vector_store_idx %arg9[%sub3A_177], %broadcast_in_dim3A_11 masked %and3A_173 {add = true} : memref<976xf32, #tpu.memory_space<vmem>>[vector<16xi32>], vector<16xf32>, vector<16xi1>
          %convert_element_type3A_178 = arith.extui %and3A_173 : vector<16xi1> to vector<16xi32>
          %broadcast_in_dim3A_179 = arith.constant true
          %broadcast_in_dim3A_180 = vector.broadcast %broadcast_in_dim3A_179 : i1 to vector<16xi1>
          %masked_cumsum3A = tpu.scan <sum>, %convert_element_type3A_178 masked %broadcast_in_dim3A_180 : vector<16xi32>, vector<16xi1> -> vector<16xi32>
          %add3A_181 = vector.broadcast %while3A_165 : i32 to vector<16xi32>
          %add3A_182 = arith.addi %add3A_181, %masked_cumsum3A : vector<16xi32>
          %sub3A_183 = arith.subi %add3A_182, %convert_element_type3A_178 : vector<16xi32>
          %add3A_184 = vector.broadcast %mul3A_124 : i32 to vector<16xi32>
          %add3A_185 = arith.addi %add3A_184, %sub3A_183 : vector<16xi32>
          %lt3A_186 = arith.constant 48 : i32
          %lt3A_187 = vector.broadcast %lt3A_186 : i32 to vector<16xi32>
          %lt3A_188 = arith.cmpi slt, %sub3A_183, %lt3A_187 : vector<16xi32>
          %and3A_189 = arith.andi %and3A_173, %lt3A_188 : vector<16xi1>
          tpu.vector_store_idx %arg11[%add3A_185], %get3A_168 masked %and3A_189 : memref<304xi32, #tpu.memory_space<vmem>>[vector<16xi32>], vector<16xi32>, vector<16xi1>
          %all_reduce_population_count3A = tpu.all_reduce %and3A_173 {dim = 0 : i64, kind = #tpu.reduction_kind<sum>} : vector<16xi1> -> vector<16xi32>
          %slice3A = vector.extract_strided_slice %all_reduce_population_count3A {offsets = [0], sizes = [1], strides = [1]} : vector<16xi32> to vector<1xi32>
          %squeeze3A = vector.extract %slice3A[0] : i32 from vector<1xi32>
          %add3A_190 = arith.addi %while3A_165, %squeeze3A : i32
          scf.yield %add3A_190 : i32
        }
        %min3A_143 = arith.constant 48 : i32
        %min3A_144 = arith.minsi %while3A_142, %min3A_143 : i32
        %gt3A = arith.constant 0 : i32
        %gt3A_145 = arith.cmpi sgt, %min3A_144, %gt3A : i32
        %convert_element_type3A_146 = arith.extui %gt3A_145 : i1 to i32
        %cond3A_147 = arith.constant 0 : i32
        %cond3A_148 = arith.cmpi ne, %convert_element_type3A_146, %cond3A_147 : i32
        scf.if %cond3A_148 {
          %add3A_164 = arith.constant 0 : i32
          %add3A_165 = arith.addi %mul3A_124, %add3A_164 : i32
          %dma_start3A = arith.constant 0 : i32
          %dma_start3A_166 = arith.constant 0 : i32
          %dma_start3A_167 = tpu.memref_slice %arg12[%select_n3A_114, %dma_start3A, %dma_start3A_166] : memref<6x48x128xf32, #tpu.memory_space<vmem>> -> memref<1x16x128xf32, #tpu.memory_space<vmem>>
          %dma_start3A_168 = tpu.memref_squeeze %dma_start3A_167 : memref<1x16x128xf32, #tpu.memory_space<vmem>> -> memref<16x128xf32, #tpu.memory_space<vmem>>
          %dma_start3A_169 = tpu.memref_slice %arg11[%add3A_165] : memref<304xi32, #tpu.memory_space<vmem>> -> memref<16xi32, #tpu.memory_space<vmem>>
          %dma_start3A_170 = arith.constant 0 : i32
          %dma_start3A_171 = arith.constant 0 : i32
          %dma_start3A_172 = tpu.memref_slice %arg2[%dma_start3A_170, %dma_start3A_171] : memref<16384x128xf32, #tpu.memory_space<hbm>> -> memref<16384x128xf32, #tpu.memory_space<hbm>>
          %dma_start3A_173 = tpu.memref_slice %arg22[%select_n3A_114] : memref<6x!tpu.dma_semaphore, #tpu.memory_space<semaphore_mem>> -> memref<1x!tpu.dma_semaphore, #tpu.memory_space<semaphore_mem>>
          %dma_start3A_174 = tpu.memref_squeeze %dma_start3A_173 : memref<1x!tpu.dma_semaphore, #tpu.memory_space<semaphore_mem>> -> memref<!tpu.dma_semaphore, #tpu.memory_space<semaphore_mem>>
          tpu.enqueue_indirect_dma source(%dma_start3A_172 : memref<16384x128xf32, #tpu.memory_space<hbm>>) target(%dma_start3A_168 : memref<16x128xf32, #tpu.memory_space<vmem>>) offsets(%dma_start3A_169 : memref<16xi32, #tpu.memory_space<vmem>>) semaphore(%dma_start3A_174 : memref<!tpu.dma_semaphore, #tpu.memory_space<semaphore_mem>>)
        } else {
        }
        %gt3A_149 = arith.constant 16 : i32
        %gt3A_150 = arith.cmpi sgt, %min3A_144, %gt3A_149 : i32
        %convert_element_type3A_151 = arith.extui %gt3A_150 : i1 to i32
        %cond3A_152 = arith.constant 0 : i32
        %cond3A_153 = arith.cmpi ne, %convert_element_type3A_151, %cond3A_152 : i32
        scf.if %cond3A_153 {
          %add3A_164 = arith.constant 16 : i32
          %add3A_165 = arith.addi %mul3A_124, %add3A_164 : i32
          %dma_start3A = arith.constant 16 : i32
          %dma_start3A_166 = arith.constant 0 : i32
          %dma_start3A_167 = tpu.memref_slice %arg12[%select_n3A_114, %dma_start3A, %dma_start3A_166] : memref<6x48x128xf32, #tpu.memory_space<vmem>> -> memref<1x16x128xf32, #tpu.memory_space<vmem>>
          %dma_start3A_168 = tpu.memref_squeeze %dma_start3A_167 : memref<1x16x128xf32, #tpu.memory_space<vmem>> -> memref<16x128xf32, #tpu.memory_space<vmem>>
          %dma_start3A_169 = tpu.memref_slice %arg11[%add3A_165] : memref<304xi32, #tpu.memory_space<vmem>> -> memref<16xi32, #tpu.memory_space<vmem>>
          %dma_start3A_170 = arith.constant 0 : i32
          %dma_start3A_171 = arith.constant 0 : i32
          %dma_start3A_172 = tpu.memref_slice %arg2[%dma_start3A_170, %dma_start3A_171] : memref<16384x128xf32, #tpu.memory_space<hbm>> -> memref<16384x128xf32, #tpu.memory_space<hbm>>
          %dma_start3A_173 = tpu.memref_slice %arg22[%select_n3A_114] : memref<6x!tpu.dma_semaphore, #tpu.memory_space<semaphore_mem>> -> memref<1x!tpu.dma_semaphore, #tpu.memory_space<semaphore_mem>>
          %dma_start3A_174 = tpu.memref_squeeze %dma_start3A_173 : memref<1x!tpu.dma_semaphore, #tpu.memory_space<semaphore_mem>> -> memref<!tpu.dma_semaphore, #tpu.memory_space<semaphore_mem>>
          tpu.enqueue_indirect_dma source(%dma_start3A_172 : memref<16384x128xf32, #tpu.memory_space<hbm>>) target(%dma_start3A_168 : memref<16x128xf32, #tpu.memory_space<vmem>>) offsets(%dma_start3A_169 : memref<16xi32, #tpu.memory_space<vmem>>) semaphore(%dma_start3A_174 : memref<!tpu.dma_semaphore, #tpu.memory_space<semaphore_mem>>)
        } else {
        }
        %gt3A_154 = arith.constant 32 : i32
        %gt3A_155 = arith.cmpi sgt, %min3A_144, %gt3A_154 : i32
        %convert_element_type3A_156 = arith.extui %gt3A_155 : i1 to i32
        %cond3A_157 = arith.constant 0 : i32
        %cond3A_158 = arith.cmpi ne, %convert_element_type3A_156, %cond3A_157 : i32
        scf.if %cond3A_158 {
          %add3A_164 = arith.constant 32 : i32
          %add3A_165 = arith.addi %mul3A_124, %add3A_164 : i32
          %dma_start3A = arith.constant 32 : i32
          %dma_start3A_166 = arith.constant 0 : i32
          %dma_start3A_167 = tpu.memref_slice %arg12[%select_n3A_114, %dma_start3A, %dma_start3A_166] : memref<6x48x128xf32, #tpu.memory_space<vmem>> -> memref<1x16x128xf32, #tpu.memory_space<vmem>>
          %dma_start3A_168 = tpu.memref_squeeze %dma_start3A_167 : memref<1x16x128xf32, #tpu.memory_space<vmem>> -> memref<16x128xf32, #tpu.memory_space<vmem>>
          %dma_start3A_169 = tpu.memref_slice %arg11[%add3A_165] : memref<304xi32, #tpu.memory_space<vmem>> -> memref<16xi32, #tpu.memory_space<vmem>>
          %dma_start3A_170 = arith.constant 0 : i32
          %dma_start3A_171 = arith.constant 0 : i32
          %dma_start3A_172 = tpu.memref_slice %arg2[%dma_start3A_170, %dma_start3A_171] : memref<16384x128xf32, #tpu.memory_space<hbm>> -> memref<16384x128xf32, #tpu.memory_space<hbm>>
          %dma_start3A_173 = tpu.memref_slice %arg22[%select_n3A_114] : memref<6x!tpu.dma_semaphore, #tpu.memory_space<semaphore_mem>> -> memref<1x!tpu.dma_semaphore, #tpu.memory_space<semaphore_mem>>
          %dma_start3A_174 = tpu.memref_squeeze %dma_start3A_173 : memref<1x!tpu.dma_semaphore, #tpu.memory_space<semaphore_mem>> -> memref<!tpu.dma_semaphore, #tpu.memory_space<semaphore_mem>>
          tpu.enqueue_indirect_dma source(%dma_start3A_172 : memref<16384x128xf32, #tpu.memory_space<hbm>>) target(%dma_start3A_168 : memref<16x128xf32, #tpu.memory_space<vmem>>) offsets(%dma_start3A_169 : memref<16xi32, #tpu.memory_space<vmem>>) semaphore(%dma_start3A_174 : memref<!tpu.dma_semaphore, #tpu.memory_space<semaphore_mem>>)
        } else {
        }
        %iota3A = tpu.iota {dimensions = array<i32: 0>} : vector<16xi32>
        %eq3A_159 = arith.constant 0 : i32
        %eq3A_160 = vector.broadcast %eq3A_159 : i32 to vector<16xi32>
        %eq3A_161 = arith.cmpi eq, %iota3A, %eq3A_160 : vector<16xi32>
        %broadcast_in_dim3A_162 = vector.broadcast %select_n3A_114 : i32 to vector<16xi32>
        %broadcast_in_dim3A_163 = vector.broadcast %while3A_142 : i32 to vector<16xi32>
        tpu.vector_store_idx %arg21[%broadcast_in_dim3A_162], %broadcast_in_dim3A_163 masked %eq3A_161 : memref<22xi32, #tpu.memory_space<vmem>>[vector<16xi32>], vector<16xi32>, vector<16xi1>
      } else {
      }
      %ge3A = arith.constant 5 : i32
      %ge3A_94 = arith.cmpi sge, %scan3A_90, %ge3A : i32
      %convert_element_type3A_95 = arith.extui %ge3A_94 : i1 to i32
      %cond3A_96 = arith.constant 0 : i32
      %cond3A_97 = arith.cmpi ne, %convert_element_type3A_95, %cond3A_96 : i32
      scf.if %cond3A_97 {
        %sub3A_99 = arith.constant 5 : i32
        %sub3A_100 = arith.subi %scan3A_90, %sub3A_99 : i32
        %jit3A_101 = arith.constant 6 : i32
        %eq3A_102 = arith.constant 0 : i32
        %eq3A_103 = arith.cmpi eq, %jit3A_101, %eq3A_102 : i32
        %jit3A_104 = arith.constant 1 : i32
        %select_n3A_105 = arith.select %eq3A_103, %jit3A_104, %jit3A_101 : i32
        %rem3A_106 = arith.remsi %sub3A_100, %select_n3A_105 : i32
        %ne3A_107 = arith.constant 0 : i32
        %ne3A_108 = arith.cmpi ne, %rem3A_106, %ne3A_107 : i32
        %lt3A_109 = arith.constant 0 : i32
        %lt3A_110 = arith.cmpi slt, %rem3A_106, %lt3A_109 : i32
        %lt3A_111 = arith.constant 0 : i32
        %lt3A_112 = arith.cmpi slt, %select_n3A_105, %lt3A_111 : i32
        %ne3A_113 = arith.xori %lt3A_110, %lt3A_112 : i1
        %and3A_114 = arith.andi %ne3A_113, %ne3A_108 : i1
        %add3A_115 = arith.addi %rem3A_106, %select_n3A_105 : i32
        %select_n3A_116 = arith.select %and3A_114, %add3A_115, %rem3A_106 : i32
        %mul3A_117 = arith.constant 136 : i32
        %mul3A_118 = arith.muli %sub3A_100, %mul3A_117 : i32
        %add3A_119 = arith.addi %mul3A_2, %mul3A_118 : i32
        %add3A_120 = arith.constant 136 : i32
        %add3A_121 = arith.addi %add3A_119, %add3A_120 : i32
        %min3A_122 = arith.minsi %add3A_121, %min3A_6 : i32
        %mul3A_123 = arith.constant 160 : i32
        %mul3A_124 = arith.muli %select_n3A_116, %mul3A_123 : i32
        %mul3A_125 = arith.constant 48 : i32
        %mul3A_126 = arith.muli %select_n3A_116, %mul3A_125 : i32
        %get3A = arith.index_cast %select_n3A_116 : i32 to index
        %get3A_127 = tpu.vector_load %arg21[%get3A] {strides = array<i32>} : memref<22xi32, #tpu.memory_space<vmem>>, vector<16xi32>,
        %slice3A = vector.extract_strided_slice %get3A_127 {offsets = [0], sizes = [1], strides = [1]} : vector<16xi32> to vector<1xi32>
        %squeeze3A = vector.extract %slice3A[0] : i32 from vector<1xi32>
        %min3A_128 = arith.constant 48 : i32
        %min3A_129 = arith.minsi %squeeze3A, %min3A_128 : i32
        %not3A = arith.constant true
        %not3A_130 = arith.xori %eq3A_3, %not3A : i1
        %lt3A_131 = arith.constant 22 : i32
        %lt3A_132 = arith.cmpi slt, %sub3A_100, %lt3A_131 : i32
        %or3A = arith.ori %not3A_130, %lt3A_132 : i1
        %convert_element_type3A_133 = arith.extui %or3A : i1 to i32
        %cond3A_134 = arith.constant 0 : i32
        %cond3A_135 = arith.cmpi ne, %convert_element_type3A_133, %cond3A_134 : i32
        scf.if %cond3A_135 {
          %dma_start3A = arith.constant 0 : i32
          %dma_start3A_218 = arith.constant 0 : i32
          %dma_start3A_219 = tpu.memref_slice %arg15[%dma_start3A, %dma_start3A_218] : memref<136x64xf32, #tpu.memory_space<vmem>> -> memref<136x64xf32, #tpu.memory_space<vmem>>
          %dma_start3A_220 = arith.constant 0 : i32
          %dma_start3A_221 = tpu.memref_slice %arg4[%add3A_119, %dma_start3A_220] : memref<100000x64xf32, #tpu.memory_space<hbm>> -> memref<136x64xf32, #tpu.memory_space<hbm>>
          %dma_start3A_222 = arith.constant 0 : i32
          %dma_start3A_223 = arith.constant 0 : i32
          %dma_start3A_224 = tpu.memref_slice %arg15[%dma_start3A_222, %dma_start3A_223] : memref<136x64xf32, #tpu.memory_space<vmem>> -> memref<136x64xf32, #tpu.memory_space<vmem>>
          %dma_start3A_225 = arith.constant 0 : i32
          %dma_start3A_226 = tpu.memref_slice %arg4[%add3A_119, %dma_start3A_225] : memref<100000x64xf32, #tpu.memory_space<hbm>> -> memref<136x64xf32, #tpu.memory_space<hbm>>
          tpu.enqueue_dma source(%dma_start3A_226 : memref<136x64xf32, #tpu.memory_space<hbm>>) target(%dma_start3A_224 : memref<136x64xf32, #tpu.memory_space<vmem>>) target_semaphore(%arg18 : memref<!tpu.dma_semaphore, #tpu.memory_space<semaphore_mem>>)
          %dma_start3A_227 = arith.constant 0 : i32
          %dma_start3A_228 = arith.constant 0 : i32
          %dma_start3A_229 = tpu.memref_slice %arg16[%dma_start3A_227, %dma_start3A_228] : memref<136x64xf32, #tpu.memory_space<vmem>> -> memref<136x64xf32, #tpu.memory_space<vmem>>
          %dma_start3A_230 = arith.constant 0 : i32
          %dma_start3A_231 = tpu.memref_slice %arg5[%add3A_119, %dma_start3A_230] : memref<100000x64xf32, #tpu.memory_space<hbm>> -> memref<136x64xf32, #tpu.memory_space<hbm>>
          %dma_start3A_232 = arith.constant 0 : i32
          %dma_start3A_233 = arith.constant 0 : i32
          %dma_start3A_234 = tpu.memref_slice %arg16[%dma_start3A_232, %dma_start3A_233] : memref<136x64xf32, #tpu.memory_space<vmem>> -> memref<136x64xf32, #tpu.memory_space<vmem>>
          %dma_start3A_235 = arith.constant 0 : i32
          %dma_start3A_236 = tpu.memref_slice %arg5[%add3A_119, %dma_start3A_235] : memref<100000x64xf32, #tpu.memory_space<hbm>> -> memref<136x64xf32, #tpu.memory_space<hbm>>
          tpu.enqueue_dma source(%dma_start3A_236 : memref<136x64xf32, #tpu.memory_space<hbm>>) target(%dma_start3A_234 : memref<136x64xf32, #tpu.memory_space<vmem>>) target_semaphore(%arg19 : memref<!tpu.dma_semaphore, #tpu.memory_space<semaphore_mem>>)
        } else {
        }
        %not3A_136 = arith.constant true
        %not3A_137 = arith.xori %or3A, %not3A_136 : i1
        %convert_element_type3A_138 = arith.extui %not3A_137 : i1 to i32
        %cond3A_139 = arith.constant 0 : i32
        %cond3A_140 = arith.cmpi ne, %convert_element_type3A_138, %cond3A_139 : i32
        scf.if %cond3A_140 {
          %dma_start3A = arith.constant 0 : i32
          %dma_start3A_218 = arith.constant 0 : i32
          %dma_start3A_219 = tpu.memref_slice %arg15[%dma_start3A, %dma_start3A_218] : memref<136x64xf32, #tpu.memory_space<vmem>> -> memref<40x64xf32, #tpu.memory_space<vmem>>
          %dma_start3A_220 = arith.constant 0 : i32
          %dma_start3A_221 = tpu.memref_slice %arg4[%add3A_119, %dma_start3A_220] : memref<100000x64xf32, #tpu.memory_space<hbm>> -> memref<40x64xf32, #tpu.memory_space<hbm>>
          %dma_start3A_222 = arith.constant 0 : i32
          %dma_start3A_223 = arith.constant 0 : i32
          %dma_start3A_224 = tpu.memref_slice %arg15[%dma_start3A_222, %dma_start3A_223] : memref<136x64xf32, #tpu.memory_space<vmem>> -> memref<40x64xf32, #tpu.memory_space<vmem>>
          %dma_start3A_225 = arith.constant 0 : i32
          %dma_start3A_226 = tpu.memref_slice %arg4[%add3A_119, %dma_start3A_225] : memref<100000x64xf32, #tpu.memory_space<hbm>> -> memref<40x64xf32, #tpu.memory_space<hbm>>
          tpu.enqueue_dma source(%dma_start3A_226 : memref<40x64xf32, #tpu.memory_space<hbm>>) target(%dma_start3A_224 : memref<40x64xf32, #tpu.memory_space<vmem>>) target_semaphore(%arg18 : memref<!tpu.dma_semaphore, #tpu.memory_space<semaphore_mem>>)
          %dma_start3A_227 = arith.constant 0 : i32
          %dma_start3A_228 = arith.constant 0 : i32
          %dma_start3A_229 = tpu.memref_slice %arg16[%dma_start3A_227, %dma_start3A_228] : memref<136x64xf32, #tpu.memory_space<vmem>> -> memref<40x64xf32, #tpu.memory_space<vmem>>
          %dma_start3A_230 = arith.constant 0 : i32
          %dma_start3A_231 = tpu.memref_slice %arg5[%add3A_119, %dma_start3A_230] : memref<100000x64xf32, #tpu.memory_space<hbm>> -> memref<40x64xf32, #tpu.memory_space<hbm>>
          %dma_start3A_232 = arith.constant 0 : i32
          %dma_start3A_233 = arith.constant 0 : i32
          %dma_start3A_234 = tpu.memref_slice %arg16[%dma_start3A_232, %dma_start3A_233] : memref<136x64xf32, #tpu.memory_space<vmem>> -> memref<40x64xf32, #tpu.memory_space<vmem>>
          %dma_start3A_235 = arith.constant 0 : i32
          %dma_start3A_236 = tpu.memref_slice %arg5[%add3A_119, %dma_start3A_235] : memref<100000x64xf32, #tpu.memory_space<hbm>> -> memref<40x64xf32, #tpu.memory_space<hbm>>
          tpu.enqueue_dma source(%dma_start3A_236 : memref<40x64xf32, #tpu.memory_space<hbm>>) target(%dma_start3A_234 : memref<40x64xf32, #tpu.memory_space<vmem>>) target_semaphore(%arg19 : memref<!tpu.dma_semaphore, #tpu.memory_space<semaphore_mem>>)
        } else {
        }
        %scan3A_141 = arith.constant 0 : i32
        %scan3A_142 = arith.constant 0 : i32
        %scan3A_143 = arith.constant 10 : i32
        %scan3A_144 = arith.addi %scan3A_142, %scan3A_143 : i32
        %scan3A_145 = arith.constant 1 : i32
        %scan3A_146 = scf.for %scan3A_218 = %scan3A_142 to %scan3A_144 step %scan3A_145 iter_args(%scan3A_219 = %scan3A_141) -> (i32)  : i32 {
          %mul3A_220 = arith.constant 16 : i32
          %mul3A_221 = arith.muli %scan3A_218, %mul3A_220 : i32
          %add3A_222 = arith.addi %mul3A_124, %mul3A_221 : i32
          %get3A_223 = arith.index_cast %add3A_222 : i32 to index
          %get3A_224 = tpu.vector_load %arg9[%get3A_223] {strides = array<i32>} : memref<976xf32, #tpu.memory_space<vmem>>, vector<16xf32>,
          %gt3A_225 = arith.constant 0.000000e+00 : f32
          %gt3A_226 = vector.broadcast %gt3A_225 : f32 to vector<16xf32>
          %gt3A_227 = arith.cmpf ogt, %get3A_224, %gt3A_226 : vector<16xf32>
          %iota3A = tpu.iota {dimensions = array<i32: 0>} : vector<16xi32>
          %mul3A_228 = arith.constant 16 : i32
          %mul3A_229 = arith.muli %scan3A_218, %mul3A_228 : i32
          %add3A_230 = vector.broadcast %mul3A_229 : i32 to vector<16xi32>
          %add3A_231 = arith.addi %iota3A, %add3A_230 : vector<16xi32>
          %convert_element_type3A_232 = arith.extui %gt3A_227 : vector<16xi1> to vector<16xi32>
          %broadcast_in_dim3A_233 = arith.constant true
          %broadcast_in_dim3A_234 = vector.broadcast %broadcast_in_dim3A_233 : i1 to vector<16xi1>
          %masked_cumsum3A = tpu.scan <sum>, %convert_element_type3A_232 masked %broadcast_in_dim3A_234 : vector<16xi32>, vector<16xi1> -> vector<16xi32>
          %add3A_235 = vector.broadcast %scan3A_219 : i32 to vector<16xi32>
          %add3A_236 = arith.addi %add3A_235, %masked_cumsum3A : vector<16xi32>
          %sub3A_237 = arith.subi %add3A_236, %convert_element_type3A_232 : vector<16xi32>
          tpu.vector_store_idx %arg17[%sub3A_237], %add3A_231 masked %gt3A_227 : memref<176xi32, #tpu.memory_space<vmem>>[vector<16xi32>], vector<16xi32>, vector<16xi1>
          %all_reduce_population_count3A = tpu.all_reduce %gt3A_227 {dim = 0 : i64, kind = #tpu.reduction_kind<sum>} : vector<16xi1> -> vector<16xi32>
          %slice3A_238 = vector.extract_strided_slice %all_reduce_population_count3A {offsets = [0], sizes = [1], strides = [1]} : vector<16xi32> to vector<1xi32>
          %squeeze3A_239 = vector.extract %slice3A_238[0] : i32 from vector<1xi32>
          %add3A_240 = arith.addi %scan3A_219, %squeeze3A_239 : i32
          scf.yield %add3A_240 : i32
        }
        %scan3A_147 = arith.constant 10 : i32
        %while3A = arith.constant 0 : i32
        %while3A_148 = arith.constant 0 : i32
        %while3A_149 = arith.subi %scan3A_146, %while3A : i32
        %while3A_150 = arith.addi %while3A, %while3A_149 : i32
        %while3A_151 = arith.constant 1 : i32
        %while3A_152 = arith.divsi %while3A_149, %while3A_151 : i32
        %while3A_153 = arith.muli %while3A_152, %while3A_151 : i32
        %while3A_154 = arith.addi %while3A, %while3A_153 : i32
        %while3A_155 = arith.constant 1 : i32
        %while3A_156 = scf.for %while3A_218 = %while3A to %while3A_154 step %while3A_155 iter_args(%while3A_219 = %while3A_148) -> (i32)  : i32 {
          %get3A_220 = arith.index_cast %while3A_218 : i32 to index
          %get3A_221 = tpu.vector_load %arg17[%get3A_220] {strides = array<i32>} : memref<176xi32, #tpu.memory_space<vmem>>, vector<16xi32>,
          %slice3A_222 = vector.extract_strided_slice %get3A_221 {offsets = [0], sizes = [1], strides = [1]} : vector<16xi32> to vector<1xi32>
          %squeeze3A_223 = vector.extract %slice3A_222[0] : i32 from vector<1xi32>
          %swap3A_224 = arith.index_cast %squeeze3A_223 : i32 to index
          %swap3A_225 = arith.constant 0 : index
          %swap3A_226 = tpu.vector_load %arg8[%swap3A_224, %swap3A_225] {strides = array<i32>} : memref<144x128xf32, #tpu.memory_space<vmem>>, vector<16xf32>,
          tpu.vector_store %arg8[%swap3A_224, %swap3A_225], %broadcast_in_dim3A_7 {strides = array<i32>} : memref<144x128xf32, #tpu.memory_space<vmem>>, vector<16xf32>,
          %swap3A_227 = arith.index_cast %squeeze3A_223 : i32 to index
          %swap3A_228 = arith.constant 16 : index
          %swap3A_229 = tpu.vector_load %arg8[%swap3A_227, %swap3A_228] {strides = array<i32>} : memref<144x128xf32, #tpu.memory_space<vmem>>, vector<16xf32>,
          tpu.vector_store %arg8[%swap3A_227, %swap3A_228], %broadcast_in_dim3A_7 {strides = array<i32>} : memref<144x128xf32, #tpu.memory_space<vmem>>, vector<16xf32>,
          %swap3A_230 = arith.index_cast %squeeze3A_223 : i32 to index
          %swap3A_231 = arith.constant 32 : index
          %swap3A_232 = tpu.vector_load %arg8[%swap3A_230, %swap3A_231] {strides = array<i32>} : memref<144x128xf32, #tpu.memory_space<vmem>>, vector<16xf32>,
          tpu.vector_store %arg8[%swap3A_230, %swap3A_231], %broadcast_in_dim3A_7 {strides = array<i32>} : memref<144x128xf32, #tpu.memory_space<vmem>>, vector<16xf32>,
          %swap3A_233 = arith.index_cast %squeeze3A_223 : i32 to index
          %swap3A_234 = arith.constant 48 : index
          %swap3A_235 = tpu.vector_load %arg8[%swap3A_233, %swap3A_234] {strides = array<i32>} : memref<144x128xf32, #tpu.memory_space<vmem>>, vector<16xf32>,
          tpu.vector_store %arg8[%swap3A_233, %swap3A_234], %broadcast_in_dim3A_7 {strides = array<i32>} : memref<144x128xf32, #tpu.memory_space<vmem>>, vector<16xf32>,
          %swap3A_236 = arith.index_cast %squeeze3A_223 : i32 to index
          %swap3A_237 = arith.constant 64 : index
          %swap3A_238 = tpu.vector_load %arg8[%swap3A_236, %swap3A_237] {strides = array<i32>} : memref<144x128xf32, #tpu.memory_space<vmem>>, vector<16xf32>,
          tpu.vector_store %arg8[%swap3A_236, %swap3A_237], %broadcast_in_dim3A_7 {strides = array<i32>} : memref<144x128xf32, #tpu.memory_space<vmem>>, vector<16xf32>,
          %swap3A_239 = arith.index_cast %squeeze3A_223 : i32 to index
          %swap3A_240 = arith.constant 80 : index
          %swap3A_241 = tpu.vector_load %arg8[%swap3A_239, %swap3A_240] {strides = array<i32>} : memref<144x128xf32, #tpu.memory_space<vmem>>, vector<16xf32>,
          tpu.vector_store %arg8[%swap3A_239, %swap3A_240], %broadcast_in_dim3A_7 {strides = array<i32>} : memref<144x128xf32, #tpu.memory_space<vmem>>, vector<16xf32>,
          %swap3A_242 = arith.index_cast %squeeze3A_223 : i32 to index
          %swap3A_243 = arith.constant 96 : index
          %swap3A_244 = tpu.vector_load %arg8[%swap3A_242, %swap3A_243] {strides = array<i32>} : memref<144x128xf32, #tpu.memory_space<vmem>>, vector<16xf32>,
          tpu.vector_store %arg8[%swap3A_242, %swap3A_243], %broadcast_in_dim3A_7 {strides = array<i32>} : memref<144x128xf32, #tpu.memory_space<vmem>>, vector<16xf32>,
          %swap3A_245 = arith.index_cast %squeeze3A_223 : i32 to index
          %swap3A_246 = arith.constant 112 : index
          %swap3A_247 = tpu.vector_load %arg8[%swap3A_245, %swap3A_246] {strides = array<i32>} : memref<144x128xf32, #tpu.memory_space<vmem>>, vector<16xf32>,
          tpu.vector_store %arg8[%swap3A_245, %swap3A_246], %broadcast_in_dim3A_7 {strides = array<i32>} : memref<144x128xf32, #tpu.memory_space<vmem>>, vector<16xf32>,
          %while3A_248 = arith.constant 0 : i32
          scf.yield %while3A_248 : i32
        }
        %while3A_157 = arith.constant 1 : i32
        %while3A_158 = scf.for %while3A_218 = %while3A_154 to %while3A_150 step %while3A_157 iter_args(%while3A_219 = %while3A_156) -> (i32)  : i32 {
          %get3A_220 = arith.index_cast %while3A_218 : i32 to index
          %get3A_221 = tpu.vector_load %arg17[%get3A_220] {strides = array<i32>} : memref<176xi32, #tpu.memory_space<vmem>>, vector<16xi32>,
          %slice3A_222 = vector.extract_strided_slice %get3A_221 {offsets = [0], sizes = [1], strides = [1]} : vector<16xi32> to vector<1xi32>
          %squeeze3A_223 = vector.extract %slice3A_222[0] : i32 from vector<1xi32>
          %swap3A_224 = arith.index_cast %squeeze3A_223 : i32 to index
          %swap3A_225 = arith.constant 0 : index
          %swap3A_226 = tpu.vector_load %arg8[%swap3A_224, %swap3A_225] {strides = array<i32>} : memref<144x128xf32, #tpu.memory_space<vmem>>, vector<16xf32>,
          tpu.vector_store %arg8[%swap3A_224, %swap3A_225], %broadcast_in_dim3A_7 {strides = array<i32>} : memref<144x128xf32, #tpu.memory_space<vmem>>, vector<16xf32>,
          %swap3A_227 = arith.index_cast %squeeze3A_223 : i32 to index
          %swap3A_228 = arith.constant 16 : index
          %swap3A_229 = tpu.vector_load %arg8[%swap3A_227, %swap3A_228] {strides = array<i32>} : memref<144x128xf32, #tpu.memory_space<vmem>>, vector<16xf32>,
          tpu.vector_store %arg8[%swap3A_227, %swap3A_228], %broadcast_in_dim3A_7 {strides = array<i32>} : memref<144x128xf32, #tpu.memory_space<vmem>>, vector<16xf32>,
          %swap3A_230 = arith.index_cast %squeeze3A_223 : i32 to index
          %swap3A_231 = arith.constant 32 : index
          %swap3A_232 = tpu.vector_load %arg8[%swap3A_230, %swap3A_231] {strides = array<i32>} : memref<144x128xf32, #tpu.memory_space<vmem>>, vector<16xf32>,
          tpu.vector_store %arg8[%swap3A_230, %swap3A_231], %broadcast_in_dim3A_7 {strides = array<i32>} : memref<144x128xf32, #tpu.memory_space<vmem>>, vector<16xf32>,
          %swap3A_233 = arith.index_cast %squeeze3A_223 : i32 to index
          %swap3A_234 = arith.constant 48 : index
          %swap3A_235 = tpu.vector_load %arg8[%swap3A_233, %swap3A_234] {strides = array<i32>} : memref<144x128xf32, #tpu.memory_space<vmem>>, vector<16xf32>,
          tpu.vector_store %arg8[%swap3A_233, %swap3A_234], %broadcast_in_dim3A_7 {strides = array<i32>} : memref<144x128xf32, #tpu.memory_space<vmem>>, vector<16xf32>,
          %swap3A_236 = arith.index_cast %squeeze3A_223 : i32 to index
          %swap3A_237 = arith.constant 64 : index
          %swap3A_238 = tpu.vector_load %arg8[%swap3A_236, %swap3A_237] {strides = array<i32>} : memref<144x128xf32, #tpu.memory_space<vmem>>, vector<16xf32>,
          tpu.vector_store %arg8[%swap3A_236, %swap3A_237], %broadcast_in_dim3A_7 {strides = array<i32>} : memref<144x128xf32, #tpu.memory_space<vmem>>, vector<16xf32>,
          %swap3A_239 = arith.index_cast %squeeze3A_223 : i32 to index
          %swap3A_240 = arith.constant 80 : index
          %swap3A_241 = tpu.vector_load %arg8[%swap3A_239, %swap3A_240] {strides = array<i32>} : memref<144x128xf32, #tpu.memory_space<vmem>>, vector<16xf32>,
          tpu.vector_store %arg8[%swap3A_239, %swap3A_240], %broadcast_in_dim3A_7 {strides = array<i32>} : memref<144x128xf32, #tpu.memory_space<vmem>>, vector<16xf32>,
          %swap3A_242 = arith.index_cast %squeeze3A_223 : i32 to index
          %swap3A_243 = arith.constant 96 : index
          %swap3A_244 = tpu.vector_load %arg8[%swap3A_242, %swap3A_243] {strides = array<i32>} : memref<144x128xf32, #tpu.memory_space<vmem>>, vector<16xf32>,
          tpu.vector_store %arg8[%swap3A_242, %swap3A_243], %broadcast_in_dim3A_7 {strides = array<i32>} : memref<144x128xf32, #tpu.memory_space<vmem>>, vector<16xf32>,
          %swap3A_245 = arith.index_cast %squeeze3A_223 : i32 to index
          %swap3A_246 = arith.constant 112 : index
          %swap3A_247 = tpu.vector_load %arg8[%swap3A_245, %swap3A_246] {strides = array<i32>} : memref<144x128xf32, #tpu.memory_space<vmem>>, vector<16xf32>,
          tpu.vector_store %arg8[%swap3A_245, %swap3A_246], %broadcast_in_dim3A_7 {strides = array<i32>} : memref<144x128xf32, #tpu.memory_space<vmem>>, vector<16xf32>,
          %while3A_248 = arith.constant 0 : i32
          scf.yield %while3A_248 : i32
        }
        %gt3A = arith.constant 0 : i32
        %gt3A_159 = arith.cmpi sgt, %min3A_129, %gt3A : i32
        %convert_element_type3A_160 = arith.extui %gt3A_159 : i1 to i32
        %cond3A_161 = arith.constant 0 : i32
        %cond3A_162 = arith.cmpi ne, %convert_element_type3A_160, %cond3A_161 : i32
        scf.if %cond3A_162 {
          %add3A_218 = arith.constant 0 : i32
          %add3A_219 = arith.addi %mul3A_126, %add3A_218 : i32
          %dma_wait3A = arith.constant 0 : i32
          %dma_wait3A_220 = arith.constant 0 : i32
          %dma_wait3A_221 = tpu.memref_slice %arg12[%select_n3A_116, %dma_wait3A, %dma_wait3A_220] : memref<6x48x128xf32, #tpu.memory_space<vmem>> -> memref<1x16x128xf32, #tpu.memory_space<vmem>>
          %dma_wait3A_222 = tpu.memref_squeeze %dma_wait3A_221 : memref<1x16x128xf32, #tpu.memory_space<vmem>> -> memref<16x128xf32, #tpu.memory_space<vmem>>
          %dma_wait3A_223 = tpu.memref_slice %arg11[%add3A_219] : memref<304xi32, #tpu.memory_space<vmem>> -> memref<16xi32, #tpu.memory_space<vmem>>
          %dma_wait3A_224 = arith.constant 0 : i32
          %dma_wait3A_225 = arith.constant 0 : i32
          %dma_wait3A_226 = tpu.memref_slice %arg2[%dma_wait3A_224, %dma_wait3A_225] : memref<16384x128xf32, #tpu.memory_space<hbm>> -> memref<16384x128xf32, #tpu.memory_space<hbm>>
          %dma_wait3A_227 = tpu.memref_slice %arg22[%select_n3A_116] : memref<6x!tpu.dma_semaphore, #tpu.memory_space<semaphore_mem>> -> memref<1x!tpu.dma_semaphore, #tpu.memory_space<semaphore_mem>>
          %dma_wait3A_228 = tpu.memref_squeeze %dma_wait3A_227 : memref<1x!tpu.dma_semaphore, #tpu.memory_space<semaphore_mem>> -> memref<!tpu.dma_semaphore, #tpu.memory_space<semaphore_mem>>
          tpu.wait_indirect_dma semaphore(%dma_wait3A_228 : memref<!tpu.dma_semaphore, #tpu.memory_space<semaphore_mem>>) src(%dma_wait3A_226 : memref<16384x128xf32, #tpu.memory_space<hbm>>) dst(%dma_wait3A_222 : memref<16x128xf32, #tpu.memory_space<vmem>>)
        } else {
        }
        %gt3A_163 = arith.constant 16 : i32
        %gt3A_164 = arith.cmpi sgt, %min3A_129, %gt3A_163 : i32
        %convert_element_type3A_165 = arith.extui %gt3A_164 : i1 to i32
        %cond3A_166 = arith.constant 0 : i32
        %cond3A_167 = arith.cmpi ne, %convert_element_type3A_165, %cond3A_166 : i32
        scf.if %cond3A_167 {
          %add3A_218 = arith.constant 16 : i32
          %add3A_219 = arith.addi %mul3A_126, %add3A_218 : i32
          %dma_wait3A = arith.constant 16 : i32
          %dma_wait3A_220 = arith.constant 0 : i32
          %dma_wait3A_221 = tpu.memref_slice %arg12[%select_n3A_116, %dma_wait3A, %dma_wait3A_220] : memref<6x48x128xf32, #tpu.memory_space<vmem>> -> memref<1x16x128xf32, #tpu.memory_space<vmem>>
          %dma_wait3A_222 = tpu.memref_squeeze %dma_wait3A_221 : memref<1x16x128xf32, #tpu.memory_space<vmem>> -> memref<16x128xf32, #tpu.memory_space<vmem>>
          %dma_wait3A_223 = tpu.memref_slice %arg11[%add3A_219] : memref<304xi32, #tpu.memory_space<vmem>> -> memref<16xi32, #tpu.memory_space<vmem>>
          %dma_wait3A_224 = arith.constant 0 : i32
          %dma_wait3A_225 = arith.constant 0 : i32
          %dma_wait3A_226 = tpu.memref_slice %arg2[%dma_wait3A_224, %dma_wait3A_225] : memref<16384x128xf32, #tpu.memory_space<hbm>> -> memref<16384x128xf32, #tpu.memory_space<hbm>>
          %dma_wait3A_227 = tpu.memref_slice %arg22[%select_n3A_116] : memref<6x!tpu.dma_semaphore, #tpu.memory_space<semaphore_mem>> -> memref<1x!tpu.dma_semaphore, #tpu.memory_space<semaphore_mem>>
          %dma_wait3A_228 = tpu.memref_squeeze %dma_wait3A_227 : memref<1x!tpu.dma_semaphore, #tpu.memory_space<semaphore_mem>> -> memref<!tpu.dma_semaphore, #tpu.memory_space<semaphore_mem>>
          tpu.wait_indirect_dma semaphore(%dma_wait3A_228 : memref<!tpu.dma_semaphore, #tpu.memory_space<semaphore_mem>>) src(%dma_wait3A_226 : memref<16384x128xf32, #tpu.memory_space<hbm>>) dst(%dma_wait3A_222 : memref<16x128xf32, #tpu.memory_space<vmem>>)
        } else {
        }
        %gt3A_168 = arith.constant 32 : i32
        %gt3A_169 = arith.cmpi sgt, %min3A_129, %gt3A_168 : i32
        %convert_element_type3A_170 = arith.extui %gt3A_169 : i1 to i32
        %cond3A_171 = arith.constant 0 : i32
        %cond3A_172 = arith.cmpi ne, %convert_element_type3A_170, %cond3A_171 : i32
        scf.if %cond3A_172 {
          %add3A_218 = arith.constant 32 : i32
          %add3A_219 = arith.addi %mul3A_126, %add3A_218 : i32
          %dma_wait3A = arith.constant 32 : i32
          %dma_wait3A_220 = arith.constant 0 : i32
          %dma_wait3A_221 = tpu.memref_slice %arg12[%select_n3A_116, %dma_wait3A, %dma_wait3A_220] : memref<6x48x128xf32, #tpu.memory_space<vmem>> -> memref<1x16x128xf32, #tpu.memory_space<vmem>>
          %dma_wait3A_222 = tpu.memref_squeeze %dma_wait3A_221 : memref<1x16x128xf32, #tpu.memory_space<vmem>> -> memref<16x128xf32, #tpu.memory_space<vmem>>
          %dma_wait3A_223 = tpu.memref_slice %arg11[%add3A_219] : memref<304xi32, #tpu.memory_space<vmem>> -> memref<16xi32, #tpu.memory_space<vmem>>
          %dma_wait3A_224 = arith.constant 0 : i32
          %dma_wait3A_225 = arith.constant 0 : i32
          %dma_wait3A_226 = tpu.memref_slice %arg2[%dma_wait3A_224, %dma_wait3A_225] : memref<16384x128xf32, #tpu.memory_space<hbm>> -> memref<16384x128xf32, #tpu.memory_space<hbm>>
          %dma_wait3A_227 = tpu.memref_slice %arg22[%select_n3A_116] : memref<6x!tpu.dma_semaphore, #tpu.memory_space<semaphore_mem>> -> memref<1x!tpu.dma_semaphore, #tpu.memory_space<semaphore_mem>>
          %dma_wait3A_228 = tpu.memref_squeeze %dma_wait3A_227 : memref<1x!tpu.dma_semaphore, #tpu.memory_space<semaphore_mem>> -> memref<!tpu.dma_semaphore, #tpu.memory_space<semaphore_mem>>
          tpu.wait_indirect_dma semaphore(%dma_wait3A_228 : memref<!tpu.dma_semaphore, #tpu.memory_space<semaphore_mem>>) src(%dma_wait3A_226 : memref<16384x128xf32, #tpu.memory_space<hbm>>) dst(%dma_wait3A_222 : memref<16x128xf32, #tpu.memory_space<vmem>>)
        } else {
        }
        %while3A_173 = arith.constant 0 : i32
        %while3A_174 = arith.constant 0 : i32
        %while3A_175 = arith.subi %min3A_129, %while3A_173 : i32
        %while3A_176 = arith.addi %while3A_173, %while3A_175 : i32
        %while3A_177 = arith.constant 1 : i32
        %while3A_178 = arith.divsi %while3A_175, %while3A_177 : i32
        %while3A_179 = arith.muli %while3A_178, %while3A_177 : i32
        %while3A_180 = arith.addi %while3A_173, %while3A_179 : i32
        %while3A_181 = arith.constant 1 : i32
        %while3A_182 = scf.for %while3A_218 = %while3A_173 to %while3A_180 step %while3A_181 iter_args(%while3A_219 = %while3A_174) -> (i32)  : i32 {
          %add3A_220 = arith.addi %mul3A_126, %while3A_218 : i32
          %get3A_221 = arith.index_cast %add3A_220 : i32 to index
          %get3A_222 = tpu.vector_load %arg11[%get3A_221] {strides = array<i32>} : memref<304xi32, #tpu.memory_space<vmem>>, vector<16xi32>,
          %slice3A_223 = vector.extract_strided_slice %get3A_222 {offsets = [0], sizes = [1], strides = [1]} : vector<16xi32> to vector<1xi32>
          %squeeze3A_224 = vector.extract %slice3A_223[0] : i32 from vector<1xi32>
          %get3A_225 = arith.index_cast %squeeze3A_224 : i32 to index
          %get3A_226 = tpu.vector_load %arg7[%get3A_225] {strides = array<i32>} : memref<16400xi32, #tpu.memory_space<vmem>>, vector<16xi32>,
          %slice3A_227 = vector.extract_strided_slice %get3A_226 {offsets = [0], sizes = [1], strides = [1]} : vector<16xi32> to vector<1xi32>
          %squeeze3A_228 = vector.extract %slice3A_227[0] : i32 from vector<1xi32>
          %sub3A_229 = arith.subi %squeeze3A_228, %add3A_119 : i32
          %get3A_230 = arith.index_cast %select_n3A_116 : i32 to index
          %get3A_231 = arith.index_cast %while3A_218 : i32 to index
          %get3A_232 = arith.constant 0 : index
          %get3A_233 = tpu.vector_load %arg12[%get3A_230, %get3A_231, %get3A_232] {strides = array<i32>} : memref<6x48x128xf32, #tpu.memory_space<vmem>>, vector<16xf32>,
          %swap3A_234 = arith.index_cast %sub3A_229 : i32 to index
          %swap3A_235 = arith.constant 0 : index
          %swap3A_236 = tpu.vector_load %arg8[%swap3A_234, %swap3A_235] {strides = array<i32>} : memref<144x128xf32, #tpu.memory_space<vmem>>, vector<16xf32>,
          tpu.vector_store %arg8[%swap3A_234, %swap3A_235], %get3A_233 {add = true, strides = array<i32>} : memref<144x128xf32, #tpu.memory_space<vmem>>, vector<16xf32>,
          %get3A_237 = arith.index_cast %select_n3A_116 : i32 to index
          %get3A_238 = arith.index_cast %while3A_218 : i32 to index
          %get3A_239 = arith.constant 16 : index
          %get3A_240 = tpu.vector_load %arg12[%get3A_237, %get3A_238, %get3A_239] {strides = array<i32>} : memref<6x48x128xf32, #tpu.memory_space<vmem>>, vector<16xf32>,
          %swap3A_241 = arith.index_cast %sub3A_229 : i32 to index
          %swap3A_242 = arith.constant 16 : index
          %swap3A_243 = tpu.vector_load %arg8[%swap3A_241, %swap3A_242] {strides = array<i32>} : memref<144x128xf32, #tpu.memory_space<vmem>>, vector<16xf32>,
          tpu.vector_store %arg8[%swap3A_241, %swap3A_242], %get3A_240 {add = true, strides = array<i32>} : memref<144x128xf32, #tpu.memory_space<vmem>>, vector<16xf32>,
          %get3A_244 = arith.index_cast %select_n3A_116 : i32 to index
          %get3A_245 = arith.index_cast %while3A_218 : i32 to index
          %get3A_246 = arith.constant 32 : index
          %get3A_247 = tpu.vector_load %arg12[%get3A_244, %get3A_245, %get3A_246] {strides = array<i32>} : memref<6x48x128xf32, #tpu.memory_space<vmem>>, vector<16xf32>,
          %swap3A_248 = arith.index_cast %sub3A_229 : i32 to index
          %swap3A_249 = arith.constant 32 : index
          %swap3A_250 = tpu.vector_load %arg8[%swap3A_248, %swap3A_249] {strides = array<i32>} : memref<144x128xf32, #tpu.memory_space<vmem>>, vector<16xf32>,
          tpu.vector_store %arg8[%swap3A_248, %swap3A_249], %get3A_247 {add = true, strides = array<i32>} : memref<144x128xf32, #tpu.memory_space<vmem>>, vector<16xf32>,
          %get3A_251 = arith.index_cast %select_n3A_116 : i32 to index
          %get3A_252 = arith.index_cast %while3A_218 : i32 to index
          %get3A_253 = arith.constant 48 : index
          %get3A_254 = tpu.vector_load %arg12[%get3A_251, %get3A_252, %get3A_253] {strides = array<i32>} : memref<6x48x128xf32, #tpu.memory_space<vmem>>, vector<16xf32>,
          %swap3A_255 = arith.index_cast %sub3A_229 : i32 to index
          %swap3A_256 = arith.constant 48 : index
          %swap3A_257 = tpu.vector_load %arg8[%swap3A_255, %swap3A_256] {strides = array<i32>} : memref<144x128xf32, #tpu.memory_space<vmem>>, vector<16xf32>,
          tpu.vector_store %arg8[%swap3A_255, %swap3A_256], %get3A_254 {add = true, strides = array<i32>} : memref<144x128xf32, #tpu.memory_space<vmem>>, vector<16xf32>,
          %get3A_258 = arith.index_cast %select_n3A_116 : i32 to index
          %get3A_259 = arith.index_cast %while3A_218 : i32 to index
          %get3A_260 = arith.constant 64 : index
          %get3A_261 = tpu.vector_load %arg12[%get3A_258, %get3A_259, %get3A_260] {strides = array<i32>} : memref<6x48x128xf32, #tpu.memory_space<vmem>>, vector<16xf32>,
          %swap3A_262 = arith.index_cast %sub3A_229 : i32 to index
          %swap3A_263 = arith.constant 64 : index
          %swap3A_264 = tpu.vector_load %arg8[%swap3A_262, %swap3A_263] {strides = array<i32>} : memref<144x128xf32, #tpu.memory_space<vmem>>, vector<16xf32>,
          tpu.vector_store %arg8[%swap3A_262, %swap3A_263], %get3A_261 {add = true, strides = array<i32>} : memref<144x128xf32, #tpu.memory_space<vmem>>, vector<16xf32>,
          %get3A_265 = arith.index_cast %select_n3A_116 : i32 to index
          %get3A_266 = arith.index_cast %while3A_218 : i32 to index
          %get3A_267 = arith.constant 80 : index
          %get3A_268 = tpu.vector_load %arg12[%get3A_265, %get3A_266, %get3A_267] {strides = array<i32>} : memref<6x48x128xf32, #tpu.memory_space<vmem>>, vector<16xf32>,
          %swap3A_269 = arith.index_cast %sub3A_229 : i32 to index
          %swap3A_270 = arith.constant 80 : index
          %swap3A_271 = tpu.vector_load %arg8[%swap3A_269, %swap3A_270] {strides = array<i32>} : memref<144x128xf32, #tpu.memory_space<vmem>>, vector<16xf32>,
          tpu.vector_store %arg8[%swap3A_269, %swap3A_270], %get3A_268 {add = true, strides = array<i32>} : memref<144x128xf32, #tpu.memory_space<vmem>>, vector<16xf32>,
          %get3A_272 = arith.index_cast %select_n3A_116 : i32 to index
          %get3A_273 = arith.index_cast %while3A_218 : i32 to index
          %get3A_274 = arith.constant 96 : index
          %get3A_275 = tpu.vector_load %arg12[%get3A_272, %get3A_273, %get3A_274] {strides = array<i32>} : memref<6x48x128xf32, #tpu.memory_space<vmem>>, vector<16xf32>,
          %swap3A_276 = arith.index_cast %sub3A_229 : i32 to index
          %swap3A_277 = arith.constant 96 : index
          %swap3A_278 = tpu.vector_load %arg8[%swap3A_276, %swap3A_277] {strides = array<i32>} : memref<144x128xf32, #tpu.memory_space<vmem>>, vector<16xf32>,
          tpu.vector_store %arg8[%swap3A_276, %swap3A_277], %get3A_275 {add = true, strides = array<i32>} : memref<144x128xf32, #tpu.memory_space<vmem>>, vector<16xf32>,
          %get3A_279 = arith.index_cast %select_n3A_116 : i32 to index
          %get3A_280 = arith.index_cast %while3A_218 : i32 to index
          %get3A_281 = arith.constant 112 : index
          %get3A_282 = tpu.vector_load %arg12[%get3A_279, %get3A_280, %get3A_281] {strides = array<i32>} : memref<6x48x128xf32, #tpu.memory_space<vmem>>, vector<16xf32>,
          %swap3A_283 = arith.index_cast %sub3A_229 : i32 to index
          %swap3A_284 = arith.constant 112 : index
          %swap3A_285 = tpu.vector_load %arg8[%swap3A_283, %swap3A_284] {strides = array<i32>} : memref<144x128xf32, #tpu.memory_space<vmem>>, vector<16xf32>,
          tpu.vector_store %arg8[%swap3A_283, %swap3A_284], %get3A_282 {add = true, strides = array<i32>} : memref<144x128xf32, #tpu.memory_space<vmem>>, vector<16xf32>,
          %while3A_286 = arith.constant 0 : i32
          scf.yield %while3A_286 : i32
        }
        %while3A_183 = arith.constant 1 : i32
        %while3A_184 = scf.for %while3A_218 = %while3A_180 to %while3A_176 step %while3A_183 iter_args(%while3A_219 = %while3A_182) -> (i32)  : i32 {
          %add3A_220 = arith.addi %mul3A_126, %while3A_218 : i32
          %get3A_221 = arith.index_cast %add3A_220 : i32 to index
          %get3A_222 = tpu.vector_load %arg11[%get3A_221] {strides = array<i32>} : memref<304xi32, #tpu.memory_space<vmem>>, vector<16xi32>,
          %slice3A_223 = vector.extract_strided_slice %get3A_222 {offsets = [0], sizes = [1], strides = [1]} : vector<16xi32> to vector<1xi32>
          %squeeze3A_224 = vector.extract %slice3A_223[0] : i32 from vector<1xi32>
          %get3A_225 = arith.index_cast %squeeze3A_224 : i32 to index
          %get3A_226 = tpu.vector_load %arg7[%get3A_225] {strides = array<i32>} : memref<16400xi32, #tpu.memory_space<vmem>>, vector<16xi32>,
          %slice3A_227 = vector.extract_strided_slice %get3A_226 {offsets = [0], sizes = [1], strides = [1]} : vector<16xi32> to vector<1xi32>
          %squeeze3A_228 = vector.extract %slice3A_227[0] : i32 from vector<1xi32>
          %sub3A_229 = arith.subi %squeeze3A_228, %add3A_119 : i32
          %get3A_230 = arith.index_cast %select_n3A_116 : i32 to index
          %get3A_231 = arith.index_cast %while3A_218 : i32 to index
          %get3A_232 = arith.constant 0 : index
          %get3A_233 = tpu.vector_load %arg12[%get3A_230, %get3A_231, %get3A_232] {strides = array<i32>} : memref<6x48x128xf32, #tpu.memory_space<vmem>>, vector<16xf32>,
          %swap3A_234 = arith.index_cast %sub3A_229 : i32 to index
          %swap3A_235 = arith.constant 0 : index
          %swap3A_236 = tpu.vector_load %arg8[%swap3A_234, %swap3A_235] {strides = array<i32>} : memref<144x128xf32, #tpu.memory_space<vmem>>, vector<16xf32>,
          tpu.vector_store %arg8[%swap3A_234, %swap3A_235], %get3A_233 {add = true, strides = array<i32>} : memref<144x128xf32, #tpu.memory_space<vmem>>, vector<16xf32>,
          %get3A_237 = arith.index_cast %select_n3A_116 : i32 to index
          %get3A_238 = arith.index_cast %while3A_218 : i32 to index
          %get3A_239 = arith.constant 16 : index
          %get3A_240 = tpu.vector_load %arg12[%get3A_237, %get3A_238, %get3A_239] {strides = array<i32>} : memref<6x48x128xf32, #tpu.memory_space<vmem>>, vector<16xf32>,
          %swap3A_241 = arith.index_cast %sub3A_229 : i32 to index
          %swap3A_242 = arith.constant 16 : index
          %swap3A_243 = tpu.vector_load %arg8[%swap3A_241, %swap3A_242] {strides = array<i32>} : memref<144x128xf32, #tpu.memory_space<vmem>>, vector<16xf32>,
          tpu.vector_store %arg8[%swap3A_241, %swap3A_242], %get3A_240 {add = true, strides = array<i32>} : memref<144x128xf32, #tpu.memory_space<vmem>>, vector<16xf32>,
          %get3A_244 = arith.index_cast %select_n3A_116 : i32 to index
          %get3A_245 = arith.index_cast %while3A_218 : i32 to index
          %get3A_246 = arith.constant 32 : index
          %get3A_247 = tpu.vector_load %arg12[%get3A_244, %get3A_245, %get3A_246] {strides = array<i32>} : memref<6x48x128xf32, #tpu.memory_space<vmem>>, vector<16xf32>,
          %swap3A_248 = arith.index_cast %sub3A_229 : i32 to index
          %swap3A_249 = arith.constant 32 : index
          %swap3A_250 = tpu.vector_load %arg8[%swap3A_248, %swap3A_249] {strides = array<i32>} : memref<144x128xf32, #tpu.memory_space<vmem>>, vector<16xf32>,
          tpu.vector_store %arg8[%swap3A_248, %swap3A_249], %get3A_247 {add = true, strides = array<i32>} : memref<144x128xf32, #tpu.memory_space<vmem>>, vector<16xf32>,
          %get3A_251 = arith.index_cast %select_n3A_116 : i32 to index
          %get3A_252 = arith.index_cast %while3A_218 : i32 to index
          %get3A_253 = arith.constant 48 : index
          %get3A_254 = tpu.vector_load %arg12[%get3A_251, %get3A_252, %get3A_253] {strides = array<i32>} : memref<6x48x128xf32, #tpu.memory_space<vmem>>, vector<16xf32>,
          %swap3A_255 = arith.index_cast %sub3A_229 : i32 to index
          %swap3A_256 = arith.constant 48 : index
          %swap3A_257 = tpu.vector_load %arg8[%swap3A_255, %swap3A_256] {strides = array<i32>} : memref<144x128xf32, #tpu.memory_space<vmem>>, vector<16xf32>,
          tpu.vector_store %arg8[%swap3A_255, %swap3A_256], %get3A_254 {add = true, strides = array<i32>} : memref<144x128xf32, #tpu.memory_space<vmem>>, vector<16xf32>,
          %get3A_258 = arith.index_cast %select_n3A_116 : i32 to index
          %get3A_259 = arith.index_cast %while3A_218 : i32 to index
          %get3A_260 = arith.constant 64 : index
          %get3A_261 = tpu.vector_load %arg12[%get3A_258, %get3A_259, %get3A_260] {strides = array<i32>} : memref<6x48x128xf32, #tpu.memory_space<vmem>>, vector<16xf32>,
          %swap3A_262 = arith.index_cast %sub3A_229 : i32 to index
          %swap3A_263 = arith.constant 64 : index
          %swap3A_264 = tpu.vector_load %arg8[%swap3A_262, %swap3A_263] {strides = array<i32>} : memref<144x128xf32, #tpu.memory_space<vmem>>, vector<16xf32>,
          tpu.vector_store %arg8[%swap3A_262, %swap3A_263], %get3A_261 {add = true, strides = array<i32>} : memref<144x128xf32, #tpu.memory_space<vmem>>, vector<16xf32>,
          %get3A_265 = arith.index_cast %select_n3A_116 : i32 to index
          %get3A_266 = arith.index_cast %while3A_218 : i32 to index
          %get3A_267 = arith.constant 80 : index
          %get3A_268 = tpu.vector_load %arg12[%get3A_265, %get3A_266, %get3A_267] {strides = array<i32>} : memref<6x48x128xf32, #tpu.memory_space<vmem>>, vector<16xf32>,
          %swap3A_269 = arith.index_cast %sub3A_229 : i32 to index
          %swap3A_270 = arith.constant 80 : index
          %swap3A_271 = tpu.vector_load %arg8[%swap3A_269, %swap3A_270] {strides = array<i32>} : memref<144x128xf32, #tpu.memory_space<vmem>>, vector<16xf32>,
          tpu.vector_store %arg8[%swap3A_269, %swap3A_270], %get3A_268 {add = true, strides = array<i32>} : memref<144x128xf32, #tpu.memory_space<vmem>>, vector<16xf32>,
          %get3A_272 = arith.index_cast %select_n3A_116 : i32 to index
          %get3A_273 = arith.index_cast %while3A_218 : i32 to index
          %get3A_274 = arith.constant 96 : index
          %get3A_275 = tpu.vector_load %arg12[%get3A_272, %get3A_273, %get3A_274] {strides = array<i32>} : memref<6x48x128xf32, #tpu.memory_space<vmem>>, vector<16xf32>,
          %swap3A_276 = arith.index_cast %sub3A_229 : i32 to index
          %swap3A_277 = arith.constant 96 : index
          %swap3A_278 = tpu.vector_load %arg8[%swap3A_276, %swap3A_277] {strides = array<i32>} : memref<144x128xf32, #tpu.memory_space<vmem>>, vector<16xf32>,
          tpu.vector_store %arg8[%swap3A_276, %swap3A_277], %get3A_275 {add = true, strides = array<i32>} : memref<144x128xf32, #tpu.memory_space<vmem>>, vector<16xf32>,
          %get3A_279 = arith.index_cast %select_n3A_116 : i32 to index
          %get3A_280 = arith.index_cast %while3A_218 : i32 to index
          %get3A_281 = arith.constant 112 : index
          %get3A_282 = tpu.vector_load %arg12[%get3A_279, %get3A_280, %get3A_281] {strides = array<i32>} : memref<6x48x128xf32, #tpu.memory_space<vmem>>, vector<16xf32>,
          %swap3A_283 = arith.index_cast %sub3A_229 : i32 to index
          %swap3A_284 = arith.constant 112 : index
          %swap3A_285 = tpu.vector_load %arg8[%swap3A_283, %swap3A_284] {strides = array<i32>} : memref<144x128xf32, #tpu.memory_space<vmem>>, vector<16xf32>,
          tpu.vector_store %arg8[%swap3A_283, %swap3A_284], %get3A_282 {add = true, strides = array<i32>} : memref<144x128xf32, #tpu.memory_space<vmem>>, vector<16xf32>,
          %while3A_286 = arith.constant 0 : i32
          scf.yield %while3A_286 : i32
        }
        %gt3A_185 = arith.constant 48 : i32
        %gt3A_186 = arith.cmpi sgt, %squeeze3A, %gt3A_185 : i32
        %convert_element_type3A_187 = arith.extui %gt3A_186 : i1 to i32
        %cond3A_188 = arith.constant 0 : i32
        %cond3A_189 = arith.cmpi ne, %convert_element_type3A_187, %cond3A_188 : i32
        scf.if %cond3A_189 {
          %while3A_218 = arith.constant 0 : i32
          %while3A_219 = arith.constant 0 : i32
          %while3A_220 = arith.subi %scan3A_57, %while3A_218 : i32
          %while3A_221 = arith.addi %while3A_218, %while3A_220 : i32
          %while3A_222 = arith.constant 1 : i32
          %while3A_223 = arith.divsi %while3A_220, %while3A_222 : i32
          %while3A_224 = arith.muli %while3A_223, %while3A_222 : i32
          %while3A_225 = arith.addi %while3A_218, %while3A_224 : i32
          %while3A_226 = arith.constant 1 : i32
          %while3A_227 = scf.for %while3A_230 = %while3A_218 to %while3A_225 step %while3A_226 iter_args(%while3A_231 = %while3A_219) -> (i32)  : i32 {
            %get3A_232 = arith.index_cast %while3A_230 : i32 to index
            %get3A_233 = tpu.vector_load %arg10[%get3A_232] {strides = array<i32>} : memref<16448xi32, #tpu.memory_space<vmem>>, vector<16xi32>,
            %slice3A_234 = vector.extract_strided_slice %get3A_233 {offsets = [0], sizes = [1], strides = [1]} : vector<16xi32> to vector<1xi32>
            %squeeze3A_235 = vector.extract %slice3A_234[0] : i32 from vector<1xi32>
            %get3A_236 = arith.index_cast %squeeze3A_235 : i32 to index
            %get3A_237 = tpu.vector_load %arg7[%get3A_236] {strides = array<i32>} : memref<16400xi32, #tpu.memory_space<vmem>>, vector<16xi32>,
            %slice3A_238 = vector.extract_strided_slice %get3A_237 {offsets = [0], sizes = [1], strides = [1]} : vector<16xi32> to vector<1xi32>
            %squeeze3A_239 = vector.extract %slice3A_238[0] : i32 from vector<1xi32>
            %ge3A_240 = arith.cmpi sge, %squeeze3A_239, %add3A_119 : i32
            %lt3A_241 = arith.cmpi slt, %squeeze3A_239, %min3A_122 : i32
            %and3A_242 = arith.andi %ge3A_240, %lt3A_241 : i1
            %convert_element_type3A_243 = arith.extui %and3A_242 : i1 to i32
            %add3A_244 = arith.addi %while3A_231, %convert_element_type3A_243 : i32
            %gt3A_245 = arith.constant 48 : i32
            %gt3A_246 = arith.cmpi sgt, %add3A_244, %gt3A_245 : i32
            %and3A_247 = arith.andi %and3A_242, %gt3A_246 : i1
            %convert_element_type3A_248 = arith.extui %and3A_247 : i1 to i32
            %cond3A_249 = arith.constant 0 : i32
            %cond3A_250 = arith.cmpi ne, %convert_element_type3A_248, %cond3A_249 : i32
            scf.if %cond3A_250 {
              %broadcast_in_dim3A_251 = vector.broadcast %squeeze3A_235 : i32 to vector<16xi32>
              %swap3A_252 = arith.constant 0 : i32
              %swap3A_253 = arith.index_cast %swap3A_252 : i32 to index
              %swap3A_254 = arith.constant 0 : index
              %swap3A_255 = tpu.vector_load %arg14[%swap3A_253, %swap3A_254] {strides = array<i32>} : memref<1x16xi32, #tpu.memory_space<vmem>>, vector<16xi32>,
              tpu.vector_store %arg14[%swap3A_253, %swap3A_254], %broadcast_in_dim3A_251 {strides = array<i32>} : memref<1x16xi32, #tpu.memory_space<vmem>>, vector<16xi32>,
              %dma_start3A = arith.constant 0 : i32
              %dma_start3A_256 = arith.constant 0 : i32
              %dma_start3A_257 = tpu.memref_slice %arg14[%dma_start3A, %dma_start3A_256] : memref<1x16xi32, #tpu.memory_space<vmem>> -> memref<1x16xi32, #tpu.memory_space<vmem>>
              %dma_start3A_258 = tpu.memref_squeeze %dma_start3A_257 : memref<1x16xi32, #tpu.memory_space<vmem>> -> memref<16xi32, #tpu.memory_space<vmem>>
              %dma_start3A_259 = arith.constant 0 : i32
              %dma_start3A_260 = arith.constant 0 : i32
              %dma_start3A_261 = tpu.memref_slice %arg2[%dma_start3A_259, %dma_start3A_260] : memref<16384x128xf32, #tpu.memory_space<hbm>> -> memref<16384x128xf32, #tpu.memory_space<hbm>>
              tpu.enqueue_indirect_dma source(%dma_start3A_261 : memref<16384x128xf32, #tpu.memory_space<hbm>>) target(%arg13 : memref<16x128xf32, #tpu.memory_space<vmem>>) offsets(%dma_start3A_258 : memref<16xi32, #tpu.memory_space<vmem>>) semaphore(%arg20 : memref<!tpu.dma_semaphore, #tpu.memory_space<semaphore_mem>>)
              %dma_wait3A = arith.constant 0 : i32
              %dma_wait3A_262 = arith.constant 0 : i32
              %dma_wait3A_263 = tpu.memref_slice %arg14[%dma_wait3A, %dma_wait3A_262] : memref<1x16xi32, #tpu.memory_space<vmem>> -> memref<1x16xi32, #tpu.memory_space<vmem>>
              %dma_wait3A_264 = tpu.memref_squeeze %dma_wait3A_263 : memref<1x16xi32, #tpu.memory_space<vmem>> -> memref<16xi32, #tpu.memory_space<vmem>>
              %dma_wait3A_265 = arith.constant 0 : i32
              %dma_wait3A_266 = arith.constant 0 : i32
              %dma_wait3A_267 = tpu.memref_slice %arg2[%dma_wait3A_265, %dma_wait3A_266] : memref<16384x128xf32, #tpu.memory_space<hbm>> -> memref<16384x128xf32, #tpu.memory_space<hbm>>
              tpu.wait_indirect_dma semaphore(%arg20 : memref<!tpu.dma_semaphore, #tpu.memory_space<semaphore_mem>>) src(%dma_wait3A_267 : memref<16384x128xf32, #tpu.memory_space<hbm>>) dst(%arg13 : memref<16x128xf32, #tpu.memory_space<vmem>>)
              %sub3A_268 = arith.subi %squeeze3A_239, %add3A_119 : i32
              %get3A_269 = arith.constant 0 : i32
              %get3A_270 = arith.index_cast %get3A_269 : i32 to index
              %get3A_271 = arith.constant 0 : index
              %get3A_272 = tpu.vector_load %arg13[%get3A_270, %get3A_271] {strides = array<i32>} : memref<16x128xf32, #tpu.memory_space<vmem>>, vector<16xf32>,
              %swap3A_273 = arith.index_cast %sub3A_268 : i32 to index
              %swap3A_274 = arith.constant 0 : index
              %swap3A_275 = tpu.vector_load %arg8[%swap3A_273, %swap3A_274] {strides = array<i32>} : memref<144x128xf32, #tpu.memory_space<vmem>>, vector<16xf32>,
              tpu.vector_store %arg8[%swap3A_273, %swap3A_274], %get3A_272 {add = true, strides = array<i32>} : memref<144x128xf32, #tpu.memory_space<vmem>>, vector<16xf32>,
              %get3A_276 = arith.constant 0 : i32
              %get3A_277 = arith.index_cast %get3A_276 : i32 to index
              %get3A_278 = arith.constant 16 : index
              %get3A_279 = tpu.vector_load %arg13[%get3A_277, %get3A_278] {strides = array<i32>} : memref<16x128xf32, #tpu.memory_space<vmem>>, vector<16xf32>,
              %swap3A_280 = arith.index_cast %sub3A_268 : i32 to index
              %swap3A_281 = arith.constant 16 : index
              %swap3A_282 = tpu.vector_load %arg8[%swap3A_280, %swap3A_281] {strides = array<i32>} : memref<144x128xf32, #tpu.memory_space<vmem>>, vector<16xf32>,
              tpu.vector_store %arg8[%swap3A_280, %swap3A_281], %get3A_279 {add = true, strides = array<i32>} : memref<144x128xf32, #tpu.memory_space<vmem>>, vector<16xf32>,
              %get3A_283 = arith.constant 0 : i32
              %get3A_284 = arith.index_cast %get3A_283 : i32 to index
              %get3A_285 = arith.constant 32 : index
              %get3A_286 = tpu.vector_load %arg13[%get3A_284, %get3A_285] {strides = array<i32>} : memref<16x128xf32, #tpu.memory_space<vmem>>, vector<16xf32>,
              %swap3A_287 = arith.index_cast %sub3A_268 : i32 to index
              %swap3A_288 = arith.constant 32 : index
              %swap3A_289 = tpu.vector_load %arg8[%swap3A_287, %swap3A_288] {strides = array<i32>} : memref<144x128xf32, #tpu.memory_space<vmem>>, vector<16xf32>,
              tpu.vector_store %arg8[%swap3A_287, %swap3A_288], %get3A_286 {add = true, strides = array<i32>} : memref<144x128xf32, #tpu.memory_space<vmem>>, vector<16xf32>,
              %get3A_290 = arith.constant 0 : i32
              %get3A_291 = arith.index_cast %get3A_290 : i32 to index
              %get3A_292 = arith.constant 48 : index
              %get3A_293 = tpu.vector_load %arg13[%get3A_291, %get3A_292] {strides = array<i32>} : memref<16x128xf32, #tpu.memory_space<vmem>>, vector<16xf32>,
              %swap3A_294 = arith.index_cast %sub3A_268 : i32 to index
              %swap3A_295 = arith.constant 48 : index
              %swap3A_296 = tpu.vector_load %arg8[%swap3A_294, %swap3A_295] {strides = array<i32>} : memref<144x128xf32, #tpu.memory_space<vmem>>, vector<16xf32>,
              tpu.vector_store %arg8[%swap3A_294, %swap3A_295], %get3A_293 {add = true, strides = array<i32>} : memref<144x128xf32, #tpu.memory_space<vmem>>, vector<16xf32>,
              %get3A_297 = arith.constant 0 : i32
              %get3A_298 = arith.index_cast %get3A_297 : i32 to index
              %get3A_299 = arith.constant 64 : index
              %get3A_300 = tpu.vector_load %arg13[%get3A_298, %get3A_299] {strides = array<i32>} : memref<16x128xf32, #tpu.memory_space<vmem>>, vector<16xf32>,
              %swap3A_301 = arith.index_cast %sub3A_268 : i32 to index
              %swap3A_302 = arith.constant 64 : index
              %swap3A_303 = tpu.vector_load %arg8[%swap3A_301, %swap3A_302] {strides = array<i32>} : memref<144x128xf32, #tpu.memory_space<vmem>>, vector<16xf32>,
              tpu.vector_store %arg8[%swap3A_301, %swap3A_302], %get3A_300 {add = true, strides = array<i32>} : memref<144x128xf32, #tpu.memory_space<vmem>>, vector<16xf32>,
              %get3A_304 = arith.constant 0 : i32
              %get3A_305 = arith.index_cast %get3A_304 : i32 to index
              %get3A_306 = arith.constant 80 : index
              %get3A_307 = tpu.vector_load %arg13[%get3A_305, %get3A_306] {strides = array<i32>} : memref<16x128xf32, #tpu.memory_space<vmem>>, vector<16xf32>,
              %swap3A_308 = arith.index_cast %sub3A_268 : i32 to index
              %swap3A_309 = arith.constant 80 : index
              %swap3A_310 = tpu.vector_load %arg8[%swap3A_308, %swap3A_309] {strides = array<i32>} : memref<144x128xf32, #tpu.memory_space<vmem>>, vector<16xf32>,
              tpu.vector_store %arg8[%swap3A_308, %swap3A_309], %get3A_307 {add = true, strides = array<i32>} : memref<144x128xf32, #tpu.memory_space<vmem>>, vector<16xf32>,
              %get3A_311 = arith.constant 0 : i32
              %get3A_312 = arith.index_cast %get3A_311 : i32 to index
              %get3A_313 = arith.constant 96 : index
              %get3A_314 = tpu.vector_load %arg13[%get3A_312, %get3A_313] {strides = array<i32>} : memref<16x128xf32, #tpu.memory_space<vmem>>, vector<16xf32>,
              %swap3A_315 = arith.index_cast %sub3A_268 : i32 to index
              %swap3A_316 = arith.constant 96 : index
              %swap3A_317 = tpu.vector_load %arg8[%swap3A_315, %swap3A_316] {strides = array<i32>} : memref<144x128xf32, #tpu.memory_space<vmem>>, vector<16xf32>,
              tpu.vector_store %arg8[%swap3A_315, %swap3A_316], %get3A_314 {add = true, strides = array<i32>} : memref<144x128xf32, #tpu.memory_space<vmem>>, vector<16xf32>,
              %get3A_318 = arith.constant 0 : i32
              %get3A_319 = arith.index_cast %get3A_318 : i32 to index
              %get3A_320 = arith.constant 112 : index
              %get3A_321 = tpu.vector_load %arg13[%get3A_319, %get3A_320] {strides = array<i32>} : memref<16x128xf32, #tpu.memory_space<vmem>>, vector<16xf32>,
              %swap3A_322 = arith.index_cast %sub3A_268 : i32 to index
              %swap3A_323 = arith.constant 112 : index
              %swap3A_324 = tpu.vector_load %arg8[%swap3A_322, %swap3A_323] {strides = array<i32>} : memref<144x128xf32, #tpu.memory_space<vmem>>, vector<16xf32>,
              tpu.vector_store %arg8[%swap3A_322, %swap3A_323], %get3A_321 {add = true, strides = array<i32>} : memref<144x128xf32, #tpu.memory_space<vmem>>, vector<16xf32>,
            } else {
            }
            scf.yield %add3A_244 : i32
          }
          %while3A_228 = arith.constant 1 : i32
          %while3A_229 = scf.for %while3A_230 = %while3A_225 to %while3A_221 step %while3A_228 iter_args(%while3A_231 = %while3A_227) -> (i32)  : i32 {
            %get3A_232 = arith.index_cast %while3A_230 : i32 to index
            %get3A_233 = tpu.vector_load %arg10[%get3A_232] {strides = array<i32>} : memref<16448xi32, #tpu.memory_space<vmem>>, vector<16xi32>,
            %slice3A_234 = vector.extract_strided_slice %get3A_233 {offsets = [0], sizes = [1], strides = [1]} : vector<16xi32> to vector<1xi32>
            %squeeze3A_235 = vector.extract %slice3A_234[0] : i32 from vector<1xi32>
            %get3A_236 = arith.index_cast %squeeze3A_235 : i32 to index
            %get3A_237 = tpu.vector_load %arg7[%get3A_236] {strides = array<i32>} : memref<16400xi32, #tpu.memory_space<vmem>>, vector<16xi32>,
            %slice3A_238 = vector.extract_strided_slice %get3A_237 {offsets = [0], sizes = [1], strides = [1]} : vector<16xi32> to vector<1xi32>
            %squeeze3A_239 = vector.extract %slice3A_238[0] : i32 from vector<1xi32>
            %ge3A_240 = arith.cmpi sge, %squeeze3A_239, %add3A_119 : i32
            %lt3A_241 = arith.cmpi slt, %squeeze3A_239, %min3A_122 : i32
            %and3A_242 = arith.andi %ge3A_240, %lt3A_241 : i1
            %convert_element_type3A_243 = arith.extui %and3A_242 : i1 to i32
            %add3A_244 = arith.addi %while3A_231, %convert_element_type3A_243 : i32
            %gt3A_245 = arith.constant 48 : i32
            %gt3A_246 = arith.cmpi sgt, %add3A_244, %gt3A_245 : i32
            %and3A_247 = arith.andi %and3A_242, %gt3A_246 : i1
            %convert_element_type3A_248 = arith.extui %and3A_247 : i1 to i32
            %cond3A_249 = arith.constant 0 : i32
            %cond3A_250 = arith.cmpi ne, %convert_element_type3A_248, %cond3A_249 : i32
            scf.if %cond3A_250 {
              %broadcast_in_dim3A_251 = vector.broadcast %squeeze3A_235 : i32 to vector<16xi32>
              %swap3A_252 = arith.constant 0 : i32
              %swap3A_253 = arith.index_cast %swap3A_252 : i32 to index
              %swap3A_254 = arith.constant 0 : index
              %swap3A_255 = tpu.vector_load %arg14[%swap3A_253, %swap3A_254] {strides = array<i32>} : memref<1x16xi32, #tpu.memory_space<vmem>>, vector<16xi32>,
              tpu.vector_store %arg14[%swap3A_253, %swap3A_254], %broadcast_in_dim3A_251 {strides = array<i32>} : memref<1x16xi32, #tpu.memory_space<vmem>>, vector<16xi32>,
              %dma_start3A = arith.constant 0 : i32
              %dma_start3A_256 = arith.constant 0 : i32
              %dma_start3A_257 = tpu.memref_slice %arg14[%dma_start3A, %dma_start3A_256] : memref<1x16xi32, #tpu.memory_space<vmem>> -> memref<1x16xi32, #tpu.memory_space<vmem>>
              %dma_start3A_258 = tpu.memref_squeeze %dma_start3A_257 : memref<1x16xi32, #tpu.memory_space<vmem>> -> memref<16xi32, #tpu.memory_space<vmem>>
              %dma_start3A_259 = arith.constant 0 : i32
              %dma_start3A_260 = arith.constant 0 : i32
              %dma_start3A_261 = tpu.memref_slice %arg2[%dma_start3A_259, %dma_start3A_260] : memref<16384x128xf32, #tpu.memory_space<hbm>> -> memref<16384x128xf32, #tpu.memory_space<hbm>>
              tpu.enqueue_indirect_dma source(%dma_start3A_261 : memref<16384x128xf32, #tpu.memory_space<hbm>>) target(%arg13 : memref<16x128xf32, #tpu.memory_space<vmem>>) offsets(%dma_start3A_258 : memref<16xi32, #tpu.memory_space<vmem>>) semaphore(%arg20 : memref<!tpu.dma_semaphore, #tpu.memory_space<semaphore_mem>>)
              %dma_wait3A = arith.constant 0 : i32
              %dma_wait3A_262 = arith.constant 0 : i32
              %dma_wait3A_263 = tpu.memref_slice %arg14[%dma_wait3A, %dma_wait3A_262] : memref<1x16xi32, #tpu.memory_space<vmem>> -> memref<1x16xi32, #tpu.memory_space<vmem>>
              %dma_wait3A_264 = tpu.memref_squeeze %dma_wait3A_263 : memref<1x16xi32, #tpu.memory_space<vmem>> -> memref<16xi32, #tpu.memory_space<vmem>>
              %dma_wait3A_265 = arith.constant 0 : i32
              %dma_wait3A_266 = arith.constant 0 : i32
              %dma_wait3A_267 = tpu.memref_slice %arg2[%dma_wait3A_265, %dma_wait3A_266] : memref<16384x128xf32, #tpu.memory_space<hbm>> -> memref<16384x128xf32, #tpu.memory_space<hbm>>
              tpu.wait_indirect_dma semaphore(%arg20 : memref<!tpu.dma_semaphore, #tpu.memory_space<semaphore_mem>>) src(%dma_wait3A_267 : memref<16384x128xf32, #tpu.memory_space<hbm>>) dst(%arg13 : memref<16x128xf32, #tpu.memory_space<vmem>>)
              %sub3A_268 = arith.subi %squeeze3A_239, %add3A_119 : i32
              %get3A_269 = arith.constant 0 : i32
              %get3A_270 = arith.index_cast %get3A_269 : i32 to index
              %get3A_271 = arith.constant 0 : index
              %get3A_272 = tpu.vector_load %arg13[%get3A_270, %get3A_271] {strides = array<i32>} : memref<16x128xf32, #tpu.memory_space<vmem>>, vector<16xf32>,
              %swap3A_273 = arith.index_cast %sub3A_268 : i32 to index
              %swap3A_274 = arith.constant 0 : index
              %swap3A_275 = tpu.vector_load %arg8[%swap3A_273, %swap3A_274] {strides = array<i32>} : memref<144x128xf32, #tpu.memory_space<vmem>>, vector<16xf32>,
              tpu.vector_store %arg8[%swap3A_273, %swap3A_274], %get3A_272 {add = true, strides = array<i32>} : memref<144x128xf32, #tpu.memory_space<vmem>>, vector<16xf32>,
              %get3A_276 = arith.constant 0 : i32
              %get3A_277 = arith.index_cast %get3A_276 : i32 to index
              %get3A_278 = arith.constant 16 : index
              %get3A_279 = tpu.vector_load %arg13[%get3A_277, %get3A_278] {strides = array<i32>} : memref<16x128xf32, #tpu.memory_space<vmem>>, vector<16xf32>,
              %swap3A_280 = arith.index_cast %sub3A_268 : i32 to index
              %swap3A_281 = arith.constant 16 : index
              %swap3A_282 = tpu.vector_load %arg8[%swap3A_280, %swap3A_281] {strides = array<i32>} : memref<144x128xf32, #tpu.memory_space<vmem>>, vector<16xf32>,
              tpu.vector_store %arg8[%swap3A_280, %swap3A_281], %get3A_279 {add = true, strides = array<i32>} : memref<144x128xf32, #tpu.memory_space<vmem>>, vector<16xf32>,
              %get3A_283 = arith.constant 0 : i32
              %get3A_284 = arith.index_cast %get3A_283 : i32 to index
              %get3A_285 = arith.constant 32 : index
              %get3A_286 = tpu.vector_load %arg13[%get3A_284, %get3A_285] {strides = array<i32>} : memref<16x128xf32, #tpu.memory_space<vmem>>, vector<16xf32>,
              %swap3A_287 = arith.index_cast %sub3A_268 : i32 to index
              %swap3A_288 = arith.constant 32 : index
              %swap3A_289 = tpu.vector_load %arg8[%swap3A_287, %swap3A_288] {strides = array<i32>} : memref<144x128xf32, #tpu.memory_space<vmem>>, vector<16xf32>,
              tpu.vector_store %arg8[%swap3A_287, %swap3A_288], %get3A_286 {add = true, strides = array<i32>} : memref<144x128xf32, #tpu.memory_space<vmem>>, vector<16xf32>,
              %get3A_290 = arith.constant 0 : i32
              %get3A_291 = arith.index_cast %get3A_290 : i32 to index
              %get3A_292 = arith.constant 48 : index
              %get3A_293 = tpu.vector_load %arg13[%get3A_291, %get3A_292] {strides = array<i32>} : memref<16x128xf32, #tpu.memory_space<vmem>>, vector<16xf32>,
              %swap3A_294 = arith.index_cast %sub3A_268 : i32 to index
              %swap3A_295 = arith.constant 48 : index
              %swap3A_296 = tpu.vector_load %arg8[%swap3A_294, %swap3A_295] {strides = array<i32>} : memref<144x128xf32, #tpu.memory_space<vmem>>, vector<16xf32>,
              tpu.vector_store %arg8[%swap3A_294, %swap3A_295], %get3A_293 {add = true, strides = array<i32>} : memref<144x128xf32, #tpu.memory_space<vmem>>, vector<16xf32>,
              %get3A_297 = arith.constant 0 : i32
              %get3A_298 = arith.index_cast %get3A_297 : i32 to index
              %get3A_299 = arith.constant 64 : index
              %get3A_300 = tpu.vector_load %arg13[%get3A_298, %get3A_299] {strides = array<i32>} : memref<16x128xf32, #tpu.memory_space<vmem>>, vector<16xf32>,
              %swap3A_301 = arith.index_cast %sub3A_268 : i32 to index
              %swap3A_302 = arith.constant 64 : index
              %swap3A_303 = tpu.vector_load %arg8[%swap3A_301, %swap3A_302] {strides = array<i32>} : memref<144x128xf32, #tpu.memory_space<vmem>>, vector<16xf32>,
              tpu.vector_store %arg8[%swap3A_301, %swap3A_302], %get3A_300 {add = true, strides = array<i32>} : memref<144x128xf32, #tpu.memory_space<vmem>>, vector<16xf32>,
              %get3A_304 = arith.constant 0 : i32
              %get3A_305 = arith.index_cast %get3A_304 : i32 to index
              %get3A_306 = arith.constant 80 : index
              %get3A_307 = tpu.vector_load %arg13[%get3A_305, %get3A_306] {strides = array<i32>} : memref<16x128xf32, #tpu.memory_space<vmem>>, vector<16xf32>,
              %swap3A_308 = arith.index_cast %sub3A_268 : i32 to index
              %swap3A_309 = arith.constant 80 : index
              %swap3A_310 = tpu.vector_load %arg8[%swap3A_308, %swap3A_309] {strides = array<i32>} : memref<144x128xf32, #tpu.memory_space<vmem>>, vector<16xf32>,
              tpu.vector_store %arg8[%swap3A_308, %swap3A_309], %get3A_307 {add = true, strides = array<i32>} : memref<144x128xf32, #tpu.memory_space<vmem>>, vector<16xf32>,
              %get3A_311 = arith.constant 0 : i32
              %get3A_312 = arith.index_cast %get3A_311 : i32 to index
              %get3A_313 = arith.constant 96 : index
              %get3A_314 = tpu.vector_load %arg13[%get3A_312, %get3A_313] {strides = array<i32>} : memref<16x128xf32, #tpu.memory_space<vmem>>, vector<16xf32>,
              %swap3A_315 = arith.index_cast %sub3A_268 : i32 to index
              %swap3A_316 = arith.constant 96 : index
              %swap3A_317 = tpu.vector_load %arg8[%swap3A_315, %swap3A_316] {strides = array<i32>} : memref<144x128xf32, #tpu.memory_space<vmem>>, vector<16xf32>,
              tpu.vector_store %arg8[%swap3A_315, %swap3A_316], %get3A_314 {add = true, strides = array<i32>} : memref<144x128xf32, #tpu.memory_space<vmem>>, vector<16xf32>,
              %get3A_318 = arith.constant 0 : i32
              %get3A_319 = arith.index_cast %get3A_318 : i32 to index
              %get3A_320 = arith.constant 112 : index
              %get3A_321 = tpu.vector_load %arg13[%get3A_319, %get3A_320] {strides = array<i32>} : memref<16x128xf32, #tpu.memory_space<vmem>>, vector<16xf32>,
              %swap3A_322 = arith.index_cast %sub3A_268 : i32 to index
              %swap3A_323 = arith.constant 112 : index
              %swap3A_324 = tpu.vector_load %arg8[%swap3A_322, %swap3A_323] {strides = array<i32>} : memref<144x128xf32, #tpu.memory_space<vmem>>, vector<16xf32>,
              tpu.vector_store %arg8[%swap3A_322, %swap3A_323], %get3A_321 {add = true, strides = array<i32>} : memref<144x128xf32, #tpu.memory_space<vmem>>, vector<16xf32>,
            } else {
            }
            scf.yield %add3A_244 : i32
          }
        } else {
        }
        %convert_element_type3A_190 = arith.extui %or3A : i1 to i32
        %cond3A_191 = arith.constant 0 : i32
        %cond3A_192 = arith.cmpi ne, %convert_element_type3A_190, %cond3A_191 : i32
        scf.if %cond3A_192 {
          %dma_wait3A = arith.constant 0 : i32
          %dma_wait3A_218 = arith.constant 0 : i32
          %dma_wait3A_219 = tpu.memref_slice %arg15[%dma_wait3A, %dma_wait3A_218] : memref<136x64xf32, #tpu.memory_space<vmem>> -> memref<136x64xf32, #tpu.memory_space<vmem>>
          %dma_wait3A_220 = arith.constant 0 : i32
          %dma_wait3A_221 = tpu.memref_slice %arg4[%add3A_119, %dma_wait3A_220] : memref<100000x64xf32, #tpu.memory_space<hbm>> -> memref<136x64xf32, #tpu.memory_space<hbm>>
          %dma_wait3A_222 = arith.constant 0 : i32
          %dma_wait3A_223 = arith.constant 0 : i32
          %dma_wait3A_224 = tpu.memref_slice %arg15[%dma_wait3A_222, %dma_wait3A_223] : memref<136x64xf32, #tpu.memory_space<vmem>> -> memref<136x64xf32, #tpu.memory_space<vmem>>
          %dma_wait3A_225 = arith.constant 0 : i32
          %dma_wait3A_226 = tpu.memref_slice %arg4[%add3A_119, %dma_wait3A_225] : memref<100000x64xf32, #tpu.memory_space<hbm>> -> memref<136x64xf32, #tpu.memory_space<hbm>>
          tpu.wait_dma2 semaphore(%arg18 : memref<!tpu.dma_semaphore, #tpu.memory_space<semaphore_mem>>) src(%dma_wait3A_226 : memref<136x64xf32, #tpu.memory_space<hbm>>) dst(%dma_wait3A_224 : memref<136x64xf32, #tpu.memory_space<vmem>>)
          %dma_wait3A_227 = arith.constant 0 : i32
          %dma_wait3A_228 = arith.constant 0 : i32
          %dma_wait3A_229 = tpu.memref_slice %arg16[%dma_wait3A_227, %dma_wait3A_228] : memref<136x64xf32, #tpu.memory_space<vmem>> -> memref<136x64xf32, #tpu.memory_space<vmem>>
          %dma_wait3A_230 = arith.constant 0 : i32
          %dma_wait3A_231 = tpu.memref_slice %arg5[%add3A_119, %dma_wait3A_230] : memref<100000x64xf32, #tpu.memory_space<hbm>> -> memref<136x64xf32, #tpu.memory_space<hbm>>
          %dma_wait3A_232 = arith.constant 0 : i32
          %dma_wait3A_233 = arith.constant 0 : i32
          %dma_wait3A_234 = tpu.memref_slice %arg16[%dma_wait3A_232, %dma_wait3A_233] : memref<136x64xf32, #tpu.memory_space<vmem>> -> memref<136x64xf32, #tpu.memory_space<vmem>>
          %dma_wait3A_235 = arith.constant 0 : i32
          %dma_wait3A_236 = tpu.memref_slice %arg5[%add3A_119, %dma_wait3A_235] : memref<100000x64xf32, #tpu.memory_space<hbm>> -> memref<136x64xf32, #tpu.memory_space<hbm>>
          tpu.wait_dma2 semaphore(%arg19 : memref<!tpu.dma_semaphore, #tpu.memory_space<semaphore_mem>>) src(%dma_wait3A_236 : memref<136x64xf32, #tpu.memory_space<hbm>>) dst(%dma_wait3A_234 : memref<136x64xf32, #tpu.memory_space<vmem>>)
        } else {
        }
        %not3A_193 = arith.constant true
        %not3A_194 = arith.xori %or3A, %not3A_193 : i1
        %convert_element_type3A_195 = arith.extui %not3A_194 : i1 to i32
        %cond3A_196 = arith.constant 0 : i32
        %cond3A_197 = arith.cmpi ne, %convert_element_type3A_195, %cond3A_196 : i32
        scf.if %cond3A_197 {
          %dma_wait3A = arith.constant 0 : i32
          %dma_wait3A_218 = arith.constant 0 : i32
          %dma_wait3A_219 = tpu.memref_slice %arg15[%dma_wait3A, %dma_wait3A_218] : memref<136x64xf32, #tpu.memory_space<vmem>> -> memref<40x64xf32, #tpu.memory_space<vmem>>
          %dma_wait3A_220 = arith.constant 0 : i32
          %dma_wait3A_221 = tpu.memref_slice %arg4[%add3A_119, %dma_wait3A_220] : memref<100000x64xf32, #tpu.memory_space<hbm>> -> memref<40x64xf32, #tpu.memory_space<hbm>>
          %dma_wait3A_222 = arith.constant 0 : i32
          %dma_wait3A_223 = arith.constant 0 : i32
          %dma_wait3A_224 = tpu.memref_slice %arg15[%dma_wait3A_222, %dma_wait3A_223] : memref<136x64xf32, #tpu.memory_space<vmem>> -> memref<40x64xf32, #tpu.memory_space<vmem>>
          %dma_wait3A_225 = arith.constant 0 : i32
          %dma_wait3A_226 = tpu.memref_slice %arg4[%add3A_119, %dma_wait3A_225] : memref<100000x64xf32, #tpu.memory_space<hbm>> -> memref<40x64xf32, #tpu.memory_space<hbm>>
          tpu.wait_dma2 semaphore(%arg18 : memref<!tpu.dma_semaphore, #tpu.memory_space<semaphore_mem>>) src(%dma_wait3A_226 : memref<40x64xf32, #tpu.memory_space<hbm>>) dst(%dma_wait3A_224 : memref<40x64xf32, #tpu.memory_space<vmem>>)
          %dma_wait3A_227 = arith.constant 0 : i32
          %dma_wait3A_228 = arith.constant 0 : i32
          %dma_wait3A_229 = tpu.memref_slice %arg16[%dma_wait3A_227, %dma_wait3A_228] : memref<136x64xf32, #tpu.memory_space<vmem>> -> memref<40x64xf32, #tpu.memory_space<vmem>>
          %dma_wait3A_230 = arith.constant 0 : i32
          %dma_wait3A_231 = tpu.memref_slice %arg5[%add3A_119, %dma_wait3A_230] : memref<100000x64xf32, #tpu.memory_space<hbm>> -> memref<40x64xf32, #tpu.memory_space<hbm>>
          %dma_wait3A_232 = arith.constant 0 : i32
          %dma_wait3A_233 = arith.constant 0 : i32
          %dma_wait3A_234 = tpu.memref_slice %arg16[%dma_wait3A_232, %dma_wait3A_233] : memref<136x64xf32, #tpu.memory_space<vmem>> -> memref<40x64xf32, #tpu.memory_space<vmem>>
          %dma_wait3A_235 = arith.constant 0 : i32
          %dma_wait3A_236 = tpu.memref_slice %arg5[%add3A_119, %dma_wait3A_235] : memref<100000x64xf32, #tpu.memory_space<hbm>> -> memref<40x64xf32, #tpu.memory_space<hbm>>
          tpu.wait_dma2 semaphore(%arg19 : memref<!tpu.dma_semaphore, #tpu.memory_space<semaphore_mem>>) src(%dma_wait3A_236 : memref<40x64xf32, #tpu.memory_space<hbm>>) dst(%dma_wait3A_234 : memref<40x64xf32, #tpu.memory_space<vmem>>)
        } else {
        }
        %while3A_198 = arith.constant 0 : i32
        %while3A_199 = arith.constant 0 : i32
        %while3A_200 = arith.subi %scan3A_146, %while3A_198 : i32
        %while3A_201 = arith.addi %while3A_198, %while3A_200 : i32
        %while3A_202 = arith.constant 1 : i32
        %while3A_203 = arith.divsi %while3A_200, %while3A_202 : i32
        %while3A_204 = arith.muli %while3A_203, %while3A_202 : i32
        %while3A_205 = arith.addi %while3A_198, %while3A_204 : i32
        %while3A_206 = arith.constant 1 : i32
        %while3A_207 = scf.for %while3A_218 = %while3A_198 to %while3A_205 step %while3A_206 iter_args(%while3A_219 = %while3A_199) -> (i32)  : i32 {
          %get3A_220 = arith.index_cast %while3A_218 : i32 to index
          %get3A_221 = tpu.vector_load %arg17[%get3A_220] {strides = array<i32>} : memref<176xi32, #tpu.memory_space<vmem>>, vector<16xi32>,
          %slice3A_222 = vector.extract_strided_slice %get3A_221 {offsets = [0], sizes = [1], strides = [1]} : vector<16xi32> to vector<1xi32>
          %squeeze3A_223 = vector.extract %slice3A_222[0] : i32 from vector<1xi32>
          %add3A_224 = arith.addi %mul3A_124, %squeeze3A_223 : i32
          %get3A_225 = arith.index_cast %add3A_224 : i32 to index
          %get3A_226 = tpu.vector_load %arg9[%get3A_225] {strides = array<i32>} : memref<976xf32, #tpu.memory_space<vmem>>, vector<16xf32>,
          %slice3A_227 = vector.extract_strided_slice %get3A_226 {offsets = [0], sizes = [1], strides = [1]} : vector<16xf32> to vector<1xf32>
          %squeeze3A_228 = vector.extract %slice3A_227[0] : f32 from vector<1xf32>
          %broadcast_in_dim3A_229 = vector.broadcast %squeeze3A_228 : f32 to vector<16xf32>
          %div3A_230 = arith.constant 1.000000e-01 : f32
          %div3A_231 = vector.broadcast %div3A_230 : f32 to vector<16xf32>
          %div3A_232 = arith.divf %div3A_231, %broadcast_in_dim3A_229 : vector<16xf32>
          %get3A_233 = arith.index_cast %squeeze3A_223 : i32 to index
          %get3A_234 = arith.constant 0 : index
          %get3A_235 = tpu.vector_load %arg15[%get3A_233, %get3A_234] {strides = array<i32>} : memref<136x64xf32, #tpu.memory_space<vmem>>, vector<16xf32>,
          %mul3A_236 = arith.constant 0.899999976 : f32
          %mul3A_237 = vector.broadcast %mul3A_236 : f32 to vector<16xf32>
          %mul3A_238 = arith.mulf %mul3A_237, %get3A_235 : vector<16xf32>
          %get3A_239 = arith.index_cast %squeeze3A_223 : i32 to index
          %get3A_240 = arith.constant 0 : index
          %get3A_241 = tpu.vector_load %arg8[%get3A_239, %get3A_240] {strides = array<i32>} : memref<144x128xf32, #tpu.memory_space<vmem>>, vector<16xf32>,
          %mul3A_242 = arith.mulf %div3A_232, %get3A_241 : vector<16xf32>
          %add3A_243 = arith.addf %mul3A_238, %mul3A_242 : vector<16xf32>
          %swap3A_244 = arith.index_cast %squeeze3A_223 : i32 to index
          %swap3A_245 = arith.constant 0 : index
          %swap3A_246 = tpu.vector_load %arg15[%swap3A_244, %swap3A_245] {strides = array<i32>} : memref<136x64xf32, #tpu.memory_space<vmem>>, vector<16xf32>,
          tpu.vector_store %arg15[%swap3A_244, %swap3A_245], %add3A_243 {strides = array<i32>} : memref<136x64xf32, #tpu.memory_space<vmem>>, vector<16xf32>,
          %get3A_247 = arith.index_cast %squeeze3A_223 : i32 to index
          %get3A_248 = arith.constant 0 : index
          %get3A_249 = tpu.vector_load %arg16[%get3A_247, %get3A_248] {strides = array<i32>} : memref<136x64xf32, #tpu.memory_space<vmem>>, vector<16xf32>,
          %mul3A_250 = arith.constant 0.899999976 : f32
          %mul3A_251 = vector.broadcast %mul3A_250 : f32 to vector<16xf32>
          %mul3A_252 = arith.mulf %mul3A_251, %get3A_249 : vector<16xf32>
          %get3A_253 = arith.index_cast %squeeze3A_223 : i32 to index
          %get3A_254 = arith.constant 64 : index
          %get3A_255 = tpu.vector_load %arg8[%get3A_253, %get3A_254] {strides = array<i32>} : memref<144x128xf32, #tpu.memory_space<vmem>>, vector<16xf32>,
          %mul3A_256 = arith.mulf %div3A_232, %get3A_255 : vector<16xf32>
          %add3A_257 = arith.addf %mul3A_252, %mul3A_256 : vector<16xf32>
          %swap3A_258 = arith.index_cast %squeeze3A_223 : i32 to index
          %swap3A_259 = arith.constant 0 : index
          %swap3A_260 = tpu.vector_load %arg16[%swap3A_258, %swap3A_259] {strides = array<i32>} : memref<136x64xf32, #tpu.memory_space<vmem>>, vector<16xf32>,
          tpu.vector_store %arg16[%swap3A_258, %swap3A_259], %add3A_257 {strides = array<i32>} : memref<136x64xf32, #tpu.memory_space<vmem>>, vector<16xf32>,
          %get3A_261 = arith.index_cast %squeeze3A_223 : i32 to index
          %get3A_262 = arith.constant 16 : index
          %get3A_263 = tpu.vector_load %arg15[%get3A_261, %get3A_262] {strides = array<i32>} : memref<136x64xf32, #tpu.memory_space<vmem>>, vector<16xf32>,
          %mul3A_264 = arith.constant 0.899999976 : f32
          %mul3A_265 = vector.broadcast %mul3A_264 : f32 to vector<16xf32>
          %mul3A_266 = arith.mulf %mul3A_265, %get3A_263 : vector<16xf32>
          %get3A_267 = arith.index_cast %squeeze3A_223 : i32 to index
          %get3A_268 = arith.constant 16 : index
          %get3A_269 = tpu.vector_load %arg8[%get3A_267, %get3A_268] {strides = array<i32>} : memref<144x128xf32, #tpu.memory_space<vmem>>, vector<16xf32>,
          %mul3A_270 = arith.mulf %div3A_232, %get3A_269 : vector<16xf32>
          %add3A_271 = arith.addf %mul3A_266, %mul3A_270 : vector<16xf32>
          %swap3A_272 = arith.index_cast %squeeze3A_223 : i32 to index
          %swap3A_273 = arith.constant 16 : index
          %swap3A_274 = tpu.vector_load %arg15[%swap3A_272, %swap3A_273] {strides = array<i32>} : memref<136x64xf32, #tpu.memory_space<vmem>>, vector<16xf32>,
          tpu.vector_store %arg15[%swap3A_272, %swap3A_273], %add3A_271 {strides = array<i32>} : memref<136x64xf32, #tpu.memory_space<vmem>>, vector<16xf32>,
          %get3A_275 = arith.index_cast %squeeze3A_223 : i32 to index
          %get3A_276 = arith.constant 16 : index
          %get3A_277 = tpu.vector_load %arg16[%get3A_275, %get3A_276] {strides = array<i32>} : memref<136x64xf32, #tpu.memory_space<vmem>>, vector<16xf32>,
          %mul3A_278 = arith.constant 0.899999976 : f32
          %mul3A_279 = vector.broadcast %mul3A_278 : f32 to vector<16xf32>
          %mul3A_280 = arith.mulf %mul3A_279, %get3A_277 : vector<16xf32>
          %get3A_281 = arith.index_cast %squeeze3A_223 : i32 to index
          %get3A_282 = arith.constant 80 : index
          %get3A_283 = tpu.vector_load %arg8[%get3A_281, %get3A_282] {strides = array<i32>} : memref<144x128xf32, #tpu.memory_space<vmem>>, vector<16xf32>,
          %mul3A_284 = arith.mulf %div3A_232, %get3A_283 : vector<16xf32>
          %add3A_285 = arith.addf %mul3A_280, %mul3A_284 : vector<16xf32>
          %swap3A_286 = arith.index_cast %squeeze3A_223 : i32 to index
          %swap3A_287 = arith.constant 16 : index
          %swap3A_288 = tpu.vector_load %arg16[%swap3A_286, %swap3A_287] {strides = array<i32>} : memref<136x64xf32, #tpu.memory_space<vmem>>, vector<16xf32>,
          tpu.vector_store %arg16[%swap3A_286, %swap3A_287], %add3A_285 {strides = array<i32>} : memref<136x64xf32, #tpu.memory_space<vmem>>, vector<16xf32>,
          %get3A_289 = arith.index_cast %squeeze3A_223 : i32 to index
          %get3A_290 = arith.constant 32 : index
          %get3A_291 = tpu.vector_load %arg15[%get3A_289, %get3A_290] {strides = array<i32>} : memref<136x64xf32, #tpu.memory_space<vmem>>, vector<16xf32>,
          %mul3A_292 = arith.constant 0.899999976 : f32
          %mul3A_293 = vector.broadcast %mul3A_292 : f32 to vector<16xf32>
          %mul3A_294 = arith.mulf %mul3A_293, %get3A_291 : vector<16xf32>
          %get3A_295 = arith.index_cast %squeeze3A_223 : i32 to index
          %get3A_296 = arith.constant 32 : index
          %get3A_297 = tpu.vector_load %arg8[%get3A_295, %get3A_296] {strides = array<i32>} : memref<144x128xf32, #tpu.memory_space<vmem>>, vector<16xf32>,
          %mul3A_298 = arith.mulf %div3A_232, %get3A_297 : vector<16xf32>
          %add3A_299 = arith.addf %mul3A_294, %mul3A_298 : vector<16xf32>
          %swap3A_300 = arith.index_cast %squeeze3A_223 : i32 to index
          %swap3A_301 = arith.constant 32 : index
          %swap3A_302 = tpu.vector_load %arg15[%swap3A_300, %swap3A_301] {strides = array<i32>} : memref<136x64xf32, #tpu.memory_space<vmem>>, vector<16xf32>,
          tpu.vector_store %arg15[%swap3A_300, %swap3A_301], %add3A_299 {strides = array<i32>} : memref<136x64xf32, #tpu.memory_space<vmem>>, vector<16xf32>,
          %get3A_303 = arith.index_cast %squeeze3A_223 : i32 to index
          %get3A_304 = arith.constant 32 : index
          %get3A_305 = tpu.vector_load %arg16[%get3A_303, %get3A_304] {strides = array<i32>} : memref<136x64xf32, #tpu.memory_space<vmem>>, vector<16xf32>,
          %mul3A_306 = arith.constant 0.899999976 : f32
          %mul3A_307 = vector.broadcast %mul3A_306 : f32 to vector<16xf32>
          %mul3A_308 = arith.mulf %mul3A_307, %get3A_305 : vector<16xf32>
          %get3A_309 = arith.index_cast %squeeze3A_223 : i32 to index
          %get3A_310 = arith.constant 96 : index
          %get3A_311 = tpu.vector_load %arg8[%get3A_309, %get3A_310] {strides = array<i32>} : memref<144x128xf32, #tpu.memory_space<vmem>>, vector<16xf32>,
          %mul3A_312 = arith.mulf %div3A_232, %get3A_311 : vector<16xf32>
          %add3A_313 = arith.addf %mul3A_308, %mul3A_312 : vector<16xf32>
          %swap3A_314 = arith.index_cast %squeeze3A_223 : i32 to index
          %swap3A_315 = arith.constant 32 : index
          %swap3A_316 = tpu.vector_load %arg16[%swap3A_314, %swap3A_315] {strides = array<i32>} : memref<136x64xf32, #tpu.memory_space<vmem>>, vector<16xf32>,
          tpu.vector_store %arg16[%swap3A_314, %swap3A_315], %add3A_313 {strides = array<i32>} : memref<136x64xf32, #tpu.memory_space<vmem>>, vector<16xf32>,
          %get3A_317 = arith.index_cast %squeeze3A_223 : i32 to index
          %get3A_318 = arith.constant 48 : index
          %get3A_319 = tpu.vector_load %arg15[%get3A_317, %get3A_318] {strides = array<i32>} : memref<136x64xf32, #tpu.memory_space<vmem>>, vector<16xf32>,
          %mul3A_320 = arith.constant 0.899999976 : f32
          %mul3A_321 = vector.broadcast %mul3A_320 : f32 to vector<16xf32>
          %mul3A_322 = arith.mulf %mul3A_321, %get3A_319 : vector<16xf32>
          %get3A_323 = arith.index_cast %squeeze3A_223 : i32 to index
          %get3A_324 = arith.constant 48 : index
          %get3A_325 = tpu.vector_load %arg8[%get3A_323, %get3A_324] {strides = array<i32>} : memref<144x128xf32, #tpu.memory_space<vmem>>, vector<16xf32>,
          %mul3A_326 = arith.mulf %div3A_232, %get3A_325 : vector<16xf32>
          %add3A_327 = arith.addf %mul3A_322, %mul3A_326 : vector<16xf32>
          %swap3A_328 = arith.index_cast %squeeze3A_223 : i32 to index
          %swap3A_329 = arith.constant 48 : index
          %swap3A_330 = tpu.vector_load %arg15[%swap3A_328, %swap3A_329] {strides = array<i32>} : memref<136x64xf32, #tpu.memory_space<vmem>>, vector<16xf32>,
          tpu.vector_store %arg15[%swap3A_328, %swap3A_329], %add3A_327 {strides = array<i32>} : memref<136x64xf32, #tpu.memory_space<vmem>>, vector<16xf32>,
          %get3A_331 = arith.index_cast %squeeze3A_223 : i32 to index
          %get3A_332 = arith.constant 48 : index
          %get3A_333 = tpu.vector_load %arg16[%get3A_331, %get3A_332] {strides = array<i32>} : memref<136x64xf32, #tpu.memory_space<vmem>>, vector<16xf32>,
          %mul3A_334 = arith.constant 0.899999976 : f32
          %mul3A_335 = vector.broadcast %mul3A_334 : f32 to vector<16xf32>
          %mul3A_336 = arith.mulf %mul3A_335, %get3A_333 : vector<16xf32>
          %get3A_337 = arith.index_cast %squeeze3A_223 : i32 to index
          %get3A_338 = arith.constant 112 : index
          %get3A_339 = tpu.vector_load %arg8[%get3A_337, %get3A_338] {strides = array<i32>} : memref<144x128xf32, #tpu.memory_space<vmem>>, vector<16xf32>,
          %mul3A_340 = arith.mulf %div3A_232, %get3A_339 : vector<16xf32>
          %add3A_341 = arith.addf %mul3A_336, %mul3A_340 : vector<16xf32>
          %swap3A_342 = arith.index_cast %squeeze3A_223 : i32 to index
          %swap3A_343 = arith.constant 48 : index
          %swap3A_344 = tpu.vector_load %arg16[%swap3A_342, %swap3A_343] {strides = array<i32>} : memref<136x64xf32, #tpu.memory_space<vmem>>, vector<16xf32>,
          tpu.vector_store %arg16[%swap3A_342, %swap3A_343], %add3A_341 {strides = array<i32>} : memref<136x64xf32, #tpu.memory_space<vmem>>, vector<16xf32>,
          %while3A_345 = arith.constant 0 : i32
          scf.yield %while3A_345 : i32
        }
        %while3A_208 = arith.constant 1 : i32
        %while3A_209 = scf.for %while3A_218 = %while3A_205 to %while3A_201 step %while3A_208 iter_args(%while3A_219 = %while3A_207) -> (i32)  : i32 {
          %get3A_220 = arith.index_cast %while3A_218 : i32 to index
          %get3A_221 = tpu.vector_load %arg17[%get3A_220] {strides = array<i32>} : memref<176xi32, #tpu.memory_space<vmem>>, vector<16xi32>,
          %slice3A_222 = vector.extract_strided_slice %get3A_221 {offsets = [0], sizes = [1], strides = [1]} : vector<16xi32> to vector<1xi32>
          %squeeze3A_223 = vector.extract %slice3A_222[0] : i32 from vector<1xi32>
          %add3A_224 = arith.addi %mul3A_124, %squeeze3A_223 : i32
          %get3A_225 = arith.index_cast %add3A_224 : i32 to index
          %get3A_226 = tpu.vector_load %arg9[%get3A_225] {strides = array<i32>} : memref<976xf32, #tpu.memory_space<vmem>>, vector<16xf32>,
          %slice3A_227 = vector.extract_strided_slice %get3A_226 {offsets = [0], sizes = [1], strides = [1]} : vector<16xf32> to vector<1xf32>
          %squeeze3A_228 = vector.extract %slice3A_227[0] : f32 from vector<1xf32>
          %broadcast_in_dim3A_229 = vector.broadcast %squeeze3A_228 : f32 to vector<16xf32>
          %div3A_230 = arith.constant 1.000000e-01 : f32
          %div3A_231 = vector.broadcast %div3A_230 : f32 to vector<16xf32>
          %div3A_232 = arith.divf %div3A_231, %broadcast_in_dim3A_229 : vector<16xf32>
          %get3A_233 = arith.index_cast %squeeze3A_223 : i32 to index
          %get3A_234 = arith.constant 0 : index
          %get3A_235 = tpu.vector_load %arg15[%get3A_233, %get3A_234] {strides = array<i32>} : memref<136x64xf32, #tpu.memory_space<vmem>>, vector<16xf32>,
          %mul3A_236 = arith.constant 0.899999976 : f32
          %mul3A_237 = vector.broadcast %mul3A_236 : f32 to vector<16xf32>
          %mul3A_238 = arith.mulf %mul3A_237, %get3A_235 : vector<16xf32>
          %get3A_239 = arith.index_cast %squeeze3A_223 : i32 to index
          %get3A_240 = arith.constant 0 : index
          %get3A_241 = tpu.vector_load %arg8[%get3A_239, %get3A_240] {strides = array<i32>} : memref<144x128xf32, #tpu.memory_space<vmem>>, vector<16xf32>,
          %mul3A_242 = arith.mulf %div3A_232, %get3A_241 : vector<16xf32>
          %add3A_243 = arith.addf %mul3A_238, %mul3A_242 : vector<16xf32>
          %swap3A_244 = arith.index_cast %squeeze3A_223 : i32 to index
          %swap3A_245 = arith.constant 0 : index
          %swap3A_246 = tpu.vector_load %arg15[%swap3A_244, %swap3A_245] {strides = array<i32>} : memref<136x64xf32, #tpu.memory_space<vmem>>, vector<16xf32>,
          tpu.vector_store %arg15[%swap3A_244, %swap3A_245], %add3A_243 {strides = array<i32>} : memref<136x64xf32, #tpu.memory_space<vmem>>, vector<16xf32>,
          %get3A_247 = arith.index_cast %squeeze3A_223 : i32 to index
          %get3A_248 = arith.constant 0 : index
          %get3A_249 = tpu.vector_load %arg16[%get3A_247, %get3A_248] {strides = array<i32>} : memref<136x64xf32, #tpu.memory_space<vmem>>, vector<16xf32>,
          %mul3A_250 = arith.constant 0.899999976 : f32
          %mul3A_251 = vector.broadcast %mul3A_250 : f32 to vector<16xf32>
          %mul3A_252 = arith.mulf %mul3A_251, %get3A_249 : vector<16xf32>
          %get3A_253 = arith.index_cast %squeeze3A_223 : i32 to index
          %get3A_254 = arith.constant 64 : index
          %get3A_255 = tpu.vector_load %arg8[%get3A_253, %get3A_254] {strides = array<i32>} : memref<144x128xf32, #tpu.memory_space<vmem>>, vector<16xf32>,
          %mul3A_256 = arith.mulf %div3A_232, %get3A_255 : vector<16xf32>
          %add3A_257 = arith.addf %mul3A_252, %mul3A_256 : vector<16xf32>
          %swap3A_258 = arith.index_cast %squeeze3A_223 : i32 to index
          %swap3A_259 = arith.constant 0 : index
          %swap3A_260 = tpu.vector_load %arg16[%swap3A_258, %swap3A_259] {strides = array<i32>} : memref<136x64xf32, #tpu.memory_space<vmem>>, vector<16xf32>,
          tpu.vector_store %arg16[%swap3A_258, %swap3A_259], %add3A_257 {strides = array<i32>} : memref<136x64xf32, #tpu.memory_space<vmem>>, vector<16xf32>,
          %get3A_261 = arith.index_cast %squeeze3A_223 : i32 to index
          %get3A_262 = arith.constant 16 : index
          %get3A_263 = tpu.vector_load %arg15[%get3A_261, %get3A_262] {strides = array<i32>} : memref<136x64xf32, #tpu.memory_space<vmem>>, vector<16xf32>,
          %mul3A_264 = arith.constant 0.899999976 : f32
          %mul3A_265 = vector.broadcast %mul3A_264 : f32 to vector<16xf32>
          %mul3A_266 = arith.mulf %mul3A_265, %get3A_263 : vector<16xf32>
          %get3A_267 = arith.index_cast %squeeze3A_223 : i32 to index
          %get3A_268 = arith.constant 16 : index
          %get3A_269 = tpu.vector_load %arg8[%get3A_267, %get3A_268] {strides = array<i32>} : memref<144x128xf32, #tpu.memory_space<vmem>>, vector<16xf32>,
          %mul3A_270 = arith.mulf %div3A_232, %get3A_269 : vector<16xf32>
          %add3A_271 = arith.addf %mul3A_266, %mul3A_270 : vector<16xf32>
          %swap3A_272 = arith.index_cast %squeeze3A_223 : i32 to index
          %swap3A_273 = arith.constant 16 : index
          %swap3A_274 = tpu.vector_load %arg15[%swap3A_272, %swap3A_273] {strides = array<i32>} : memref<136x64xf32, #tpu.memory_space<vmem>>, vector<16xf32>,
          tpu.vector_store %arg15[%swap3A_272, %swap3A_273], %add3A_271 {strides = array<i32>} : memref<136x64xf32, #tpu.memory_space<vmem>>, vector<16xf32>,
          %get3A_275 = arith.index_cast %squeeze3A_223 : i32 to index
          %get3A_276 = arith.constant 16 : index
          %get3A_277 = tpu.vector_load %arg16[%get3A_275, %get3A_276] {strides = array<i32>} : memref<136x64xf32, #tpu.memory_space<vmem>>, vector<16xf32>,
          %mul3A_278 = arith.constant 0.899999976 : f32
          %mul3A_279 = vector.broadcast %mul3A_278 : f32 to vector<16xf32>
          %mul3A_280 = arith.mulf %mul3A_279, %get3A_277 : vector<16xf32>
          %get3A_281 = arith.index_cast %squeeze3A_223 : i32 to index
          %get3A_282 = arith.constant 80 : index
          %get3A_283 = tpu.vector_load %arg8[%get3A_281, %get3A_282] {strides = array<i32>} : memref<144x128xf32, #tpu.memory_space<vmem>>, vector<16xf32>,
          %mul3A_284 = arith.mulf %div3A_232, %get3A_283 : vector<16xf32>
          %add3A_285 = arith.addf %mul3A_280, %mul3A_284 : vector<16xf32>
          %swap3A_286 = arith.index_cast %squeeze3A_223 : i32 to index
          %swap3A_287 = arith.constant 16 : index
          %swap3A_288 = tpu.vector_load %arg16[%swap3A_286, %swap3A_287] {strides = array<i32>} : memref<136x64xf32, #tpu.memory_space<vmem>>, vector<16xf32>,
          tpu.vector_store %arg16[%swap3A_286, %swap3A_287], %add3A_285 {strides = array<i32>} : memref<136x64xf32, #tpu.memory_space<vmem>>, vector<16xf32>,
          %get3A_289 = arith.index_cast %squeeze3A_223 : i32 to index
          %get3A_290 = arith.constant 32 : index
          %get3A_291 = tpu.vector_load %arg15[%get3A_289, %get3A_290] {strides = array<i32>} : memref<136x64xf32, #tpu.memory_space<vmem>>, vector<16xf32>,
          %mul3A_292 = arith.constant 0.899999976 : f32
          %mul3A_293 = vector.broadcast %mul3A_292 : f32 to vector<16xf32>
          %mul3A_294 = arith.mulf %mul3A_293, %get3A_291 : vector<16xf32>
          %get3A_295 = arith.index_cast %squeeze3A_223 : i32 to index
          %get3A_296 = arith.constant 32 : index
          %get3A_297 = tpu.vector_load %arg8[%get3A_295, %get3A_296] {strides = array<i32>} : memref<144x128xf32, #tpu.memory_space<vmem>>, vector<16xf32>,
          %mul3A_298 = arith.mulf %div3A_232, %get3A_297 : vector<16xf32>
          %add3A_299 = arith.addf %mul3A_294, %mul3A_298 : vector<16xf32>
          %swap3A_300 = arith.index_cast %squeeze3A_223 : i32 to index
          %swap3A_301 = arith.constant 32 : index
          %swap3A_302 = tpu.vector_load %arg15[%swap3A_300, %swap3A_301] {strides = array<i32>} : memref<136x64xf32, #tpu.memory_space<vmem>>, vector<16xf32>,
          tpu.vector_store %arg15[%swap3A_300, %swap3A_301], %add3A_299 {strides = array<i32>} : memref<136x64xf32, #tpu.memory_space<vmem>>, vector<16xf32>,
          %get3A_303 = arith.index_cast %squeeze3A_223 : i32 to index
          %get3A_304 = arith.constant 32 : index
          %get3A_305 = tpu.vector_load %arg16[%get3A_303, %get3A_304] {strides = array<i32>} : memref<136x64xf32, #tpu.memory_space<vmem>>, vector<16xf32>,
          %mul3A_306 = arith.constant 0.899999976 : f32
          %mul3A_307 = vector.broadcast %mul3A_306 : f32 to vector<16xf32>
          %mul3A_308 = arith.mulf %mul3A_307, %get3A_305 : vector<16xf32>
          %get3A_309 = arith.index_cast %squeeze3A_223 : i32 to index
          %get3A_310 = arith.constant 96 : index
          %get3A_311 = tpu.vector_load %arg8[%get3A_309, %get3A_310] {strides = array<i32>} : memref<144x128xf32, #tpu.memory_space<vmem>>, vector<16xf32>,
          %mul3A_312 = arith.mulf %div3A_232, %get3A_311 : vector<16xf32>
          %add3A_313 = arith.addf %mul3A_308, %mul3A_312 : vector<16xf32>
          %swap3A_314 = arith.index_cast %squeeze3A_223 : i32 to index
          %swap3A_315 = arith.constant 32 : index
          %swap3A_316 = tpu.vector_load %arg16[%swap3A_314, %swap3A_315] {strides = array<i32>} : memref<136x64xf32, #tpu.memory_space<vmem>>, vector<16xf32>,
          tpu.vector_store %arg16[%swap3A_314, %swap3A_315], %add3A_313 {strides = array<i32>} : memref<136x64xf32, #tpu.memory_space<vmem>>, vector<16xf32>,
          %get3A_317 = arith.index_cast %squeeze3A_223 : i32 to index
          %get3A_318 = arith.constant 48 : index
          %get3A_319 = tpu.vector_load %arg15[%get3A_317, %get3A_318] {strides = array<i32>} : memref<136x64xf32, #tpu.memory_space<vmem>>, vector<16xf32>,
          %mul3A_320 = arith.constant 0.899999976 : f32
          %mul3A_321 = vector.broadcast %mul3A_320 : f32 to vector<16xf32>
          %mul3A_322 = arith.mulf %mul3A_321, %get3A_319 : vector<16xf32>
          %get3A_323 = arith.index_cast %squeeze3A_223 : i32 to index
          %get3A_324 = arith.constant 48 : index
          %get3A_325 = tpu.vector_load %arg8[%get3A_323, %get3A_324] {strides = array<i32>} : memref<144x128xf32, #tpu.memory_space<vmem>>, vector<16xf32>,
          %mul3A_326 = arith.mulf %div3A_232, %get3A_325 : vector<16xf32>
          %add3A_327 = arith.addf %mul3A_322, %mul3A_326 : vector<16xf32>
          %swap3A_328 = arith.index_cast %squeeze3A_223 : i32 to index
          %swap3A_329 = arith.constant 48 : index
          %swap3A_330 = tpu.vector_load %arg15[%swap3A_328, %swap3A_329] {strides = array<i32>} : memref<136x64xf32, #tpu.memory_space<vmem>>, vector<16xf32>,
          tpu.vector_store %arg15[%swap3A_328, %swap3A_329], %add3A_327 {strides = array<i32>} : memref<136x64xf32, #tpu.memory_space<vmem>>, vector<16xf32>,
          %get3A_331 = arith.index_cast %squeeze3A_223 : i32 to index
          %get3A_332 = arith.constant 48 : index
          %get3A_333 = tpu.vector_load %arg16[%get3A_331, %get3A_332] {strides = array<i32>} : memref<136x64xf32, #tpu.memory_space<vmem>>, vector<16xf32>,
          %mul3A_334 = arith.constant 0.899999976 : f32
          %mul3A_335 = vector.broadcast %mul3A_334 : f32 to vector<16xf32>
          %mul3A_336 = arith.mulf %mul3A_335, %get3A_333 : vector<16xf32>
          %get3A_337 = arith.index_cast %squeeze3A_223 : i32 to index
          %get3A_338 = arith.constant 112 : index
          %get3A_339 = tpu.vector_load %arg8[%get3A_337, %get3A_338] {strides = array<i32>} : memref<144x128xf32, #tpu.memory_space<vmem>>, vector<16xf32>,
          %mul3A_340 = arith.mulf %div3A_232, %get3A_339 : vector<16xf32>
          %add3A_341 = arith.addf %mul3A_336, %mul3A_340 : vector<16xf32>
          %swap3A_342 = arith.index_cast %squeeze3A_223 : i32 to index
          %swap3A_343 = arith.constant 48 : index
          %swap3A_344 = tpu.vector_load %arg16[%swap3A_342, %swap3A_343] {strides = array<i32>} : memref<136x64xf32, #tpu.memory_space<vmem>>, vector<16xf32>,
          tpu.vector_store %arg16[%swap3A_342, %swap3A_343], %add3A_341 {strides = array<i32>} : memref<136x64xf32, #tpu.memory_space<vmem>>, vector<16xf32>,
          %while3A_345 = arith.constant 0 : i32
          scf.yield %while3A_345 : i32
        }
        %convert_element_type3A_210 = arith.extui %or3A : i1 to i32
        %cond3A_211 = arith.constant 0 : i32
        %cond3A_212 = arith.cmpi ne, %convert_element_type3A_210, %cond3A_211 : i32
        scf.if %cond3A_212 {
          %dma_start3A = arith.constant 0 : i32
          %dma_start3A_218 = arith.constant 0 : i32
          %dma_start3A_219 = arith.constant 0 : i32
          %dma_start3A_220 = tpu.memref_slice %arg15[%dma_start3A_218, %dma_start3A_219] : memref<136x64xf32, #tpu.memory_space<vmem>> -> memref<136x64xf32, #tpu.memory_space<vmem>>
          %dma_start3A_221 = arith.constant 0 : i32
          %dma_start3A_222 = tpu.memref_slice %arg6[%dma_start3A, %add3A_119, %dma_start3A_221] : memref<2x100000x64xf32, #tpu.memory_space<hbm>> -> memref<1x136x64xf32, #tpu.memory_space<hbm>>
          %dma_start3A_223 = tpu.memref_squeeze %dma_start3A_222 : memref<1x136x64xf32, #tpu.memory_space<hbm>> -> memref<136x64xf32, #tpu.memory_space<hbm>>
          %dma_start3A_224 = arith.constant 0 : i32
          %dma_start3A_225 = tpu.memref_slice %arg6[%dma_start3A, %add3A_119, %dma_start3A_224] : memref<2x100000x64xf32, #tpu.memory_space<hbm>> -> memref<1x136x64xf32, #tpu.memory_space<hbm>>
          %dma_start3A_226 = tpu.memref_squeeze %dma_start3A_225 : memref<1x136x64xf32, #tpu.memory_space<hbm>> -> memref<136x64xf32, #tpu.memory_space<hbm>>
          %dma_start3A_227 = arith.constant 0 : i32
          %dma_start3A_228 = arith.constant 0 : i32
          %dma_start3A_229 = tpu.memref_slice %arg15[%dma_start3A_227, %dma_start3A_228] : memref<136x64xf32, #tpu.memory_space<vmem>> -> memref<136x64xf32, #tpu.memory_space<vmem>>
          tpu.enqueue_dma source(%dma_start3A_229 : memref<136x64xf32, #tpu.memory_space<vmem>>) target(%dma_start3A_226 : memref<136x64xf32, #tpu.memory_space<hbm>>) target_semaphore(%arg18 : memref<!tpu.dma_semaphore, #tpu.memory_space<semaphore_mem>>)
          %dma_start3A_230 = arith.constant 1 : i32
          %dma_start3A_231 = arith.constant 0 : i32
          %dma_start3A_232 = arith.constant 0 : i32
          %dma_start3A_233 = tpu.memref_slice %arg16[%dma_start3A_231, %dma_start3A_232] : memref<136x64xf32, #tpu.memory_space<vmem>> -> memref<136x64xf32, #tpu.memory_space<vmem>>
          %dma_start3A_234 = arith.constant 0 : i32
          %dma_start3A_235 = tpu.memref_slice %arg6[%dma_start3A_230, %add3A_119, %dma_start3A_234] : memref<2x100000x64xf32, #tpu.memory_space<hbm>> -> memref<1x136x64xf32, #tpu.memory_space<hbm>>
          %dma_start3A_236 = tpu.memref_squeeze %dma_start3A_235 : memref<1x136x64xf32, #tpu.memory_space<hbm>> -> memref<136x64xf32, #tpu.memory_space<hbm>>
          %dma_start3A_237 = arith.constant 0 : i32
          %dma_start3A_238 = tpu.memref_slice %arg6[%dma_start3A_230, %add3A_119, %dma_start3A_237] : memref<2x100000x64xf32, #tpu.memory_space<hbm>> -> memref<1x136x64xf32, #tpu.memory_space<hbm>>
          %dma_start3A_239 = tpu.memref_squeeze %dma_start3A_238 : memref<1x136x64xf32, #tpu.memory_space<hbm>> -> memref<136x64xf32, #tpu.memory_space<hbm>>
          %dma_start3A_240 = arith.constant 0 : i32
          %dma_start3A_241 = arith.constant 0 : i32
          %dma_start3A_242 = tpu.memref_slice %arg16[%dma_start3A_240, %dma_start3A_241] : memref<136x64xf32, #tpu.memory_space<vmem>> -> memref<136x64xf32, #tpu.memory_space<vmem>>
          tpu.enqueue_dma source(%dma_start3A_242 : memref<136x64xf32, #tpu.memory_space<vmem>>) target(%dma_start3A_239 : memref<136x64xf32, #tpu.memory_space<hbm>>) target_semaphore(%arg19 : memref<!tpu.dma_semaphore, #tpu.memory_space<semaphore_mem>>)
          %dma_wait3A = arith.constant 0 : i32
          %dma_wait3A_243 = arith.constant 0 : i32
          %dma_wait3A_244 = arith.constant 0 : i32
          %dma_wait3A_245 = tpu.memref_slice %arg15[%dma_wait3A_243, %dma_wait3A_244] : memref<136x64xf32, #tpu.memory_space<vmem>> -> memref<136x64xf32, #tpu.memory_space<vmem>>
          %dma_wait3A_246 = arith.constant 0 : i32
          %dma_wait3A_247 = tpu.memref_slice %arg6[%dma_wait3A, %add3A_119, %dma_wait3A_246] : memref<2x100000x64xf32, #tpu.memory_space<hbm>> -> memref<1x136x64xf32, #tpu.memory_space<hbm>>
          %dma_wait3A_248 = tpu.memref_squeeze %dma_wait3A_247 : memref<1x136x64xf32, #tpu.memory_space<hbm>> -> memref<136x64xf32, #tpu.memory_space<hbm>>
          %dma_wait3A_249 = arith.constant 0 : i32
          %dma_wait3A_250 = tpu.memref_slice %arg6[%dma_wait3A, %add3A_119, %dma_wait3A_249] : memref<2x100000x64xf32, #tpu.memory_space<hbm>> -> memref<1x136x64xf32, #tpu.memory_space<hbm>>
          %dma_wait3A_251 = tpu.memref_squeeze %dma_wait3A_250 : memref<1x136x64xf32, #tpu.memory_space<hbm>> -> memref<136x64xf32, #tpu.memory_space<hbm>>
          %dma_wait3A_252 = arith.constant 0 : i32
          %dma_wait3A_253 = arith.constant 0 : i32
          %dma_wait3A_254 = tpu.memref_slice %arg15[%dma_wait3A_252, %dma_wait3A_253] : memref<136x64xf32, #tpu.memory_space<vmem>> -> memref<136x64xf32, #tpu.memory_space<vmem>>
          tpu.wait_dma2 semaphore(%arg18 : memref<!tpu.dma_semaphore, #tpu.memory_space<semaphore_mem>>) src(%dma_wait3A_254 : memref<136x64xf32, #tpu.memory_space<vmem>>) dst(%dma_wait3A_251 : memref<136x64xf32, #tpu.memory_space<hbm>>)
          %dma_wait3A_255 = arith.constant 1 : i32
          %dma_wait3A_256 = arith.constant 0 : i32
          %dma_wait3A_257 = arith.constant 0 : i32
          %dma_wait3A_258 = tpu.memref_slice %arg16[%dma_wait3A_256, %dma_wait3A_257] : memref<136x64xf32, #tpu.memory_space<vmem>> -> memref<136x64xf32, #tpu.memory_space<vmem>>
          %dma_wait3A_259 = arith.constant 0 : i32
          %dma_wait3A_260 = tpu.memref_slice %arg6[%dma_wait3A_255, %add3A_119, %dma_wait3A_259] : memref<2x100000x64xf32, #tpu.memory_space<hbm>> -> memref<1x136x64xf32, #tpu.memory_space<hbm>>
          %dma_wait3A_261 = tpu.memref_squeeze %dma_wait3A_260 : memref<1x136x64xf32, #tpu.memory_space<hbm>> -> memref<136x64xf32, #tpu.memory_space<hbm>>
          %dma_wait3A_262 = arith.constant 0 : i32
          %dma_wait3A_263 = tpu.memref_slice %arg6[%dma_wait3A_255, %add3A_119, %dma_wait3A_262] : memref<2x100000x64xf32, #tpu.memory_space<hbm>> -> memref<1x136x64xf32, #tpu.memory_space<hbm>>
          %dma_wait3A_264 = tpu.memref_squeeze %dma_wait3A_263 : memref<1x136x64xf32, #tpu.memory_space<hbm>> -> memref<136x64xf32, #tpu.memory_space<hbm>>
          %dma_wait3A_265 = arith.constant 0 : i32
          %dma_wait3A_266 = arith.constant 0 : i32
          %dma_wait3A_267 = tpu.memref_slice %arg16[%dma_wait3A_265, %dma_wait3A_266] : memref<136x64xf32, #tpu.memory_space<vmem>> -> memref<136x64xf32, #tpu.memory_space<vmem>>
          tpu.wait_dma2 semaphore(%arg19 : memref<!tpu.dma_semaphore, #tpu.memory_space<semaphore_mem>>) src(%dma_wait3A_267 : memref<136x64xf32, #tpu.memory_space<vmem>>) dst(%dma_wait3A_264 : memref<136x64xf32, #tpu.memory_space<hbm>>)
        } else {
        }
        %not3A_213 = arith.constant true
        %not3A_214 = arith.xori %or3A, %not3A_213 : i1
        %convert_element_type3A_215 = arith.extui %not3A_214 : i1 to i32
        %cond3A_216 = arith.constant 0 : i32
        %cond3A_217 = arith.cmpi ne, %convert_element_type3A_215, %cond3A_216 : i32
        scf.if %cond3A_217 {
          %dma_start3A = arith.constant 0 : i32
          %dma_start3A_218 = arith.constant 0 : i32
          %dma_start3A_219 = arith.constant 0 : i32
          %dma_start3A_220 = tpu.memref_slice %arg15[%dma_start3A_218, %dma_start3A_219] : memref<136x64xf32, #tpu.memory_space<vmem>> -> memref<40x64xf32, #tpu.memory_space<vmem>>
          %dma_start3A_221 = arith.constant 0 : i32
          %dma_start3A_222 = tpu.memref_slice %arg6[%dma_start3A, %add3A_119, %dma_start3A_221] : memref<2x100000x64xf32, #tpu.memory_space<hbm>> -> memref<1x40x64xf32, #tpu.memory_space<hbm>>
          %dma_start3A_223 = tpu.memref_squeeze %dma_start3A_222 : memref<1x40x64xf32, #tpu.memory_space<hbm>> -> memref<40x64xf32, #tpu.memory_space<hbm>>
          %dma_start3A_224 = arith.constant 0 : i32
          %dma_start3A_225 = tpu.memref_slice %arg6[%dma_start3A, %add3A_119, %dma_start3A_224] : memref<2x100000x64xf32, #tpu.memory_space<hbm>> -> memref<1x40x64xf32, #tpu.memory_space<hbm>>
          %dma_start3A_226 = tpu.memref_squeeze %dma_start3A_225 : memref<1x40x64xf32, #tpu.memory_space<hbm>> -> memref<40x64xf32, #tpu.memory_space<hbm>>
          %dma_start3A_227 = arith.constant 0 : i32
          %dma_start3A_228 = arith.constant 0 : i32
          %dma_start3A_229 = tpu.memref_slice %arg15[%dma_start3A_227, %dma_start3A_228] : memref<136x64xf32, #tpu.memory_space<vmem>> -> memref<40x64xf32, #tpu.memory_space<vmem>>
          tpu.enqueue_dma source(%dma_start3A_229 : memref<40x64xf32, #tpu.memory_space<vmem>>) target(%dma_start3A_226 : memref<40x64xf32, #tpu.memory_space<hbm>>) target_semaphore(%arg18 : memref<!tpu.dma_semaphore, #tpu.memory_space<semaphore_mem>>)
          %dma_start3A_230 = arith.constant 1 : i32
          %dma_start3A_231 = arith.constant 0 : i32
          %dma_start3A_232 = arith.constant 0 : i32
          %dma_start3A_233 = tpu.memref_slice %arg16[%dma_start3A_231, %dma_start3A_232] : memref<136x64xf32, #tpu.memory_space<vmem>> -> memref<40x64xf32, #tpu.memory_space<vmem>>
          %dma_start3A_234 = arith.constant 0 : i32
          %dma_start3A_235 = tpu.memref_slice %arg6[%dma_start3A_230, %add3A_119, %dma_start3A_234] : memref<2x100000x64xf32, #tpu.memory_space<hbm>> -> memref<1x40x64xf32, #tpu.memory_space<hbm>>
          %dma_start3A_236 = tpu.memref_squeeze %dma_start3A_235 : memref<1x40x64xf32, #tpu.memory_space<hbm>> -> memref<40x64xf32, #tpu.memory_space<hbm>>
          %dma_start3A_237 = arith.constant 0 : i32
          %dma_start3A_238 = tpu.memref_slice %arg6[%dma_start3A_230, %add3A_119, %dma_start3A_237] : memref<2x100000x64xf32, #tpu.memory_space<hbm>> -> memref<1x40x64xf32, #tpu.memory_space<hbm>>
          %dma_start3A_239 = tpu.memref_squeeze %dma_start3A_238 : memref<1x40x64xf32, #tpu.memory_space<hbm>> -> memref<40x64xf32, #tpu.memory_space<hbm>>
          %dma_start3A_240 = arith.constant 0 : i32
          %dma_start3A_241 = arith.constant 0 : i32
          %dma_start3A_242 = tpu.memref_slice %arg16[%dma_start3A_240, %dma_start3A_241] : memref<136x64xf32, #tpu.memory_space<vmem>> -> memref<40x64xf32, #tpu.memory_space<vmem>>
          tpu.enqueue_dma source(%dma_start3A_242 : memref<40x64xf32, #tpu.memory_space<vmem>>) target(%dma_start3A_239 : memref<40x64xf32, #tpu.memory_space<hbm>>) target_semaphore(%arg19 : memref<!tpu.dma_semaphore, #tpu.memory_space<semaphore_mem>>)
          %dma_wait3A = arith.constant 0 : i32
          %dma_wait3A_243 = arith.constant 0 : i32
          %dma_wait3A_244 = arith.constant 0 : i32
          %dma_wait3A_245 = tpu.memref_slice %arg15[%dma_wait3A_243, %dma_wait3A_244] : memref<136x64xf32, #tpu.memory_space<vmem>> -> memref<40x64xf32, #tpu.memory_space<vmem>>
          %dma_wait3A_246 = arith.constant 0 : i32
          %dma_wait3A_247 = tpu.memref_slice %arg6[%dma_wait3A, %add3A_119, %dma_wait3A_246] : memref<2x100000x64xf32, #tpu.memory_space<hbm>> -> memref<1x40x64xf32, #tpu.memory_space<hbm>>
          %dma_wait3A_248 = tpu.memref_squeeze %dma_wait3A_247 : memref<1x40x64xf32, #tpu.memory_space<hbm>> -> memref<40x64xf32, #tpu.memory_space<hbm>>
          %dma_wait3A_249 = arith.constant 0 : i32
          %dma_wait3A_250 = tpu.memref_slice %arg6[%dma_wait3A, %add3A_119, %dma_wait3A_249] : memref<2x100000x64xf32, #tpu.memory_space<hbm>> -> memref<1x40x64xf32, #tpu.memory_space<hbm>>
          %dma_wait3A_251 = tpu.memref_squeeze %dma_wait3A_250 : memref<1x40x64xf32, #tpu.memory_space<hbm>> -> memref<40x64xf32, #tpu.memory_space<hbm>>
          %dma_wait3A_252 = arith.constant 0 : i32
          %dma_wait3A_253 = arith.constant 0 : i32
          %dma_wait3A_254 = tpu.memref_slice %arg15[%dma_wait3A_252, %dma_wait3A_253] : memref<136x64xf32, #tpu.memory_space<vmem>> -> memref<40x64xf32, #tpu.memory_space<vmem>>
          tpu.wait_dma2 semaphore(%arg18 : memref<!tpu.dma_semaphore, #tpu.memory_space<semaphore_mem>>) src(%dma_wait3A_254 : memref<40x64xf32, #tpu.memory_space<vmem>>) dst(%dma_wait3A_251 : memref<40x64xf32, #tpu.memory_space<hbm>>)
          %dma_wait3A_255 = arith.constant 1 : i32
          %dma_wait3A_256 = arith.constant 0 : i32
          %dma_wait3A_257 = arith.constant 0 : i32
          %dma_wait3A_258 = tpu.memref_slice %arg16[%dma_wait3A_256, %dma_wait3A_257] : memref<136x64xf32, #tpu.memory_space<vmem>> -> memref<40x64xf32, #tpu.memory_space<vmem>>
          %dma_wait3A_259 = arith.constant 0 : i32
          %dma_wait3A_260 = tpu.memref_slice %arg6[%dma_wait3A_255, %add3A_119, %dma_wait3A_259] : memref<2x100000x64xf32, #tpu.memory_space<hbm>> -> memref<1x40x64xf32, #tpu.memory_space<hbm>>
          %dma_wait3A_261 = tpu.memref_squeeze %dma_wait3A_260 : memref<1x40x64xf32, #tpu.memory_space<hbm>> -> memref<40x64xf32, #tpu.memory_space<hbm>>
          %dma_wait3A_262 = arith.constant 0 : i32
          %dma_wait3A_263 = tpu.memref_slice %arg6[%dma_wait3A_255, %add3A_119, %dma_wait3A_262] : memref<2x100000x64xf32, #tpu.memory_space<hbm>> -> memref<1x40x64xf32, #tpu.memory_space<hbm>>
          %dma_wait3A_264 = tpu.memref_squeeze %dma_wait3A_263 : memref<1x40x64xf32, #tpu.memory_space<hbm>> -> memref<40x64xf32, #tpu.memory_space<hbm>>
          %dma_wait3A_265 = arith.constant 0 : i32
          %dma_wait3A_266 = arith.constant 0 : i32
          %dma_wait3A_267 = tpu.memref_slice %arg16[%dma_wait3A_265, %dma_wait3A_266] : memref<136x64xf32, #tpu.memory_space<vmem>> -> memref<40x64xf32, #tpu.memory_space<vmem>>
          tpu.wait_dma2 semaphore(%arg19 : memref<!tpu.dma_semaphore, #tpu.memory_space<semaphore_mem>>) src(%dma_wait3A_267 : memref<40x64xf32, #tpu.memory_space<vmem>>) dst(%dma_wait3A_264 : memref<40x64xf32, #tpu.memory_space<hbm>>)
        } else {
        }
      } else {
      }
      %scan3A_98 = arith.constant 0 : i32
      scf.yield %scan3A_98 : i32
    }
    %scan3A_89 = arith.constant 28 : i32
    return
  }
}

</mosaic_0001>

<sc_bundles>
// kernel: kernel.3.cloned.1.call-start
scs
__scs_entry_jumppad:
0x0: {  	(pc) =	sbr.rel $0x88, $3  }
0x1: {  	(tag) =	ssettag $0x0;
	lr =	simm.s32 $0x1  }
0x2: {  	[smem:$0x3F9C] =	sst lr;
	_ =	strace $0xD0000000  }
0x3: {  	_ = 	snop  }
0x4: {  	_ = 	snop  }
0x5: {  	_ = 	snop  }
0x6: {  	_ = 	snop  }
0x7: {  	_ = 	snop  }
__scs_overlays_trampoline_lowered:
0x8: {  	[smem:$0x3FAB] =	sst s0  }
0x9: {  	[smem:$0x3FAC] =	sst s1  }
0xa: {  	[smem:$0x3FAD] =	sst s2  }
0xb: {  	[smem:$0x3FAE] =	sst s3  }
0xc: {  	[smem:$0x3FAF] =	sst s4  }
0xd: {  	[smem:$0x3FB0] =	sst s5  }
0xe: {  	[smem:$0x3FB1] =	sst s6  }
0xf: {  	[smem:$0x3FB2] =	sst s7  }
0x10: {  	[smem:$0x3FB3] =	sst s8  }
0x11: {  	[smem:$0x3FB4] =	sst s9;
	s0 =	simm.s32 @!p0 $0x0  }
0x12: {  	s1 =	sld [smem:$0x3F9A];
	s0 =	simm.s32 @p0 $0x1  }
0x13: {  	[smem:$0x3FB5] =	sst s0;
	s0 =	simm.s32 @!p1 $0x0  }
0x14: {  	s2 =	sld [smem:$0x3F99];
	s0 =	simm.s32 @p1 $0x1  }
0x15: {  	[smem:$0x3FB6] =	sst s0;
	s0 =	simm.s32 @!p2 $0x0  }
0x16: {  	s3 =	sld [smem:$0x3FDB];
	s0 =	simm.s32 @p2 $0x1  }
0x17: {  	s4 =	simm.s32 $0x1BF5;
	[smem:$0x3FB8] =	sst s0  }
0x18: {  	s0 =	sld [smem:$0x3F9B];
	_ =	swait.ge [sflag:s4], $0x0  }
0x19: {  	s7 =	sld [smem:$0x3F9C]  }
0x1a: {  	s8 =	sadd.s32 $0xFFFFE003, lr  }
0x1b: {  	s9 =	sadd.s32 $0xFFFFFEF7, lr;
	s5 =	simm.s32 $0xFFFFFFFF;
	p2 =	slt.u32 s8, $0xFFFFF086  }
0x1c: {  	p1 =	slt.u32 s9, $0xF7A;
	s5 =	simm.s32 @!p2 $0x0  }
0x1d: {  	s5 =	simm.s32 @p1 $0x1;
	p0 =	seq.s32 s7, s2  }
0x1e: {  	s7 =	smul.u32 @!p0 $0xF7A, s2;
	p2 =	seq.s32 @!p0 s5, $0x0  }
0x1f: {  	s9 =	smul.u32 $0xF7A, s1;
	s8 =	simm.s32 @!p0 $0x1BF5;
	p2 =	por !p2, p0  }
0x20: {  	[sflag:s8] =	ssyncset.s32 @!p0 $0xFFFFF086;
	s6 =	sadd.s32 @!p0 s3, s7;
	s7 =	simm.s32 @!p0 $0x108  }
0x21: {  	s3 =	sadd.s32 s3, s9;
	s6 =	sadd.s32 @!p0 $0x88, s6;
	s7 =	simm.s32 @p2 $0x1082  }
0x22: {  	[simem:s7], [sflag:s8] =	dma.local @!p0 [hbm:s6], $0xF7A  }
0x23: {  	s9 =	sor.u32 $0xD0000000, s2;
	s6 =	simm.s32 $0x108;
	_ =	swait.ge @!p0 [sflag:s8], $0x0  }
0x24: {  	s3 =	sadd.s32 $0x88, s3;
	s6 =	simm.s32 @!p1 $0x1082;
	[sflag:s4] =	ssyncset.s32 $0xFFFFF086  }
0x25: {  	[simem:s6], [sflag:s4] =	dma.local [hbm:s3], $0xF7A  }
0x26: {  	[smem:$0x3F9C] =	sst s1;
	(tag) =	ssettag s2;
	_ =	strace s9  }
0x27: {  	s1 =	sld [smem:$0x3FAC]  }
0x28: {  	s2 =	sld [smem:$0x3FAD]  }
0x29: {  	s4 =	sld [smem:$0x3FAF]  }
0x2a: {  	p0 =	seq.s32 s5, $0x0;
	s5 =	sld [smem:$0x3FB0]  }
0x2b: {  	s6 =	sld [smem:$0x3FB1]  }
0x2c: {  	s7 =	sld [smem:$0x3FB2]  }
0x2d: {  	s3 =	simm.s32 $0x108;
	s8 =	sld [smem:$0x3FB3]  }
0x2e: {  	s3 =	simm.s32 @!p0 $0x1082;
	s9 =	sld [smem:$0x3FB4]  }
0x2f: {  	lr =	sadd.s32 s0, s3;
	s0 =	sld [smem:$0x3FAB]  }
0x30: {  	s3 =	sld [smem:$0x3FAE]  }
0x31: {  	[smem:$0x3FB7] =	sst s10  }
0x32: {  	s10 =	sld [smem:$0x3FB5];
	_ =	sdelay $0x3  }
0x33: {  	p0 =	seq.s32 s10, $0x1;
	s10 =	sld [smem:$0x3FB7];
	_ =	sdelay $0x3  }
0x34: {  	[smem:$0x3FB7] =	sst s10  }
0x35: {  	s10 =	sld [smem:$0x3FB6];
	_ =	sdelay $0x3  }
0x36: {  	p1 =	seq.s32 s10, $0x1;
	s10 =	sld [smem:$0x3FB7];
	_ =	sdelay $0x3  }
0x37: {  	[smem:$0x3FB7] =	sst s10  }
0x38: {  	s10 =	sld [smem:$0x3FB8]  }
0x39: {  	_ = 	snop;
	(pc) =	sbr.ind lr, $3  }
0x3a: {  	_ = 	snop  }
0x3b: {  	_ = 	snop  }
0x3c: {  	p2 =	seq.s32 s10, $0x1;
	s10 =	sld [smem:$0x3FB7]  }
0x3d: {  	_ =	shalt  }
0x3e: {  	_ =	shalt  }
0x3f: {  	_ =	shalt  }
0x40: {  	_ =	shalt  }
0x41: {  	_ =	shalt  }
0x42: {  	_ =	shalt  }
0x43: {  	_ =	shalt  }
0x44: {  	_ =	shalt  }
0x45: {  	_ =	shalt  }
0x46: {  	_ =	shalt  }
0x47: {  	_ =	shalt  }
0x48: {  	_ =	shalt  }
0x49: {  	_ =	shalt  }
0x4a: {  	_ =	shalt  }
0x4b: {  	_ =	shalt  }
0x4c: {  	_ =	shalt  }
0x4d: {  	_ =	shalt  }
0x4e: {  	_ =	shalt  }
0x4f: {  	_ =	shalt  }
0x50: {  	_ =	shalt  }
0x51: {  	_ =	shalt  }
0x52: {  	_ =	shalt  }
0x53: {  	_ =	shalt  }
0x54: {  	_ =	shalt  }
0x55: {  	_ =	shalt  }
0x56: {  	_ =	shalt  }
0x57: {  	_ =	shalt  }
0x58: {  	_ =	shalt  }
0x59: {  	_ =	shalt  }
0x5a: {  	_ =	shalt  }
0x5b: {  	_ =	shalt  }
0x5c: {  	_ =	shalt  }
0x5d: {  	_ =	shalt  }
0x5e: {  	_ =	shalt  }
0x5f: {  	_ =	shalt  }
0x60: {  	_ =	shalt  }
0x61: {  	_ =	shalt  }
0x62: {  	_ =	shalt  }
0x63: {  	_ =	shalt  }
0x64: {  	_ =	shalt  }
0x65: {  	_ =	shalt  }
0x66: {  	_ =	shalt  }
0x67: {  	_ =	shalt  }
0x68: {  	_ =	shalt  }
0x69: {  	_ =	shalt  }
0x6a: {  	_ =	shalt  }
0x6b: {  	_ =	shalt  }
0x6c: {  	_ =	shalt  }
0x6d: {  	_ =	shalt  }
0x6e: {  	_ =	shalt  }
0x6f: {  	_ =	shalt  }
0x70: {  	_ =	shalt  }
0x71: {  	_ =	shalt  }
0x72: {  	_ =	shalt  }
0x73: {  	_ =	shalt  }
0x74: {  	_ =	shalt  }
0x75: {  	_ =	shalt  }
0x76: {  	_ =	shalt  }
0x77: {  	_ =	shalt  }
0x78: {  	_ =	shalt  }
0x79: {  	_ =	shalt  }
0x7a: {  	_ =	shalt  }
0x7b: {  	_ =	shalt  }
0x7c: {  	_ =	shalt  }
0x7d: {  	_ =	shalt  }
0x7e: {  	_ =	shalt  }
0x7f: {  	_ =	shalt  }
0x80: {  	_ =	shalt  }
0x81: {  	_ =	shalt  }
0x82: {  	_ =	shalt  }
0x83: {  	_ =	shalt  }
0x84: {  	_ =	shalt  }
0x85: {  	_ =	shalt  }
0x86: {  	_ =	shalt  }
0x87: {  	_ =	shalt  }
.Lfunc_end0:
.L_simem_size_0:
called_computation_lowered:
.L_overlay_start_0:
0x88: {  	s2 =	sld [smem:$0x3FD9]  }
0x89: {  	s3 =	sld [smem:$0x3FFE];
	_ =	sdelay $0x1  }
0x8a: {  	s1 =	srdreg.scid  }
0x8b: {  	s0 =	sand.u32 $0x1, s1  }
0x8c: {  	s17 =	sshll.u32 s0, $0xA;
	s2 =	sadd.s32 s3, s2  }
0x8d: {  	s2 =	sadd.s32 s2, s17  }
0x8e: {  	[smem:$0x3FC3] =	sst s2  }
0x8f: {  	_ = 	snop  }
0x90: {  	s2 =	sld [smem:$0x3FC7]  }
0x91: {  	s18 =	sld [smem:$0x3FD0];
	(tm) =	ssettm $0x1  }
0x92: {  	s4 =	sld [smem:$0x3FFB];
	_ =	sdelay $0x3  }
0x93: {  	_ =	strace s4  }
0x94: {  	s4 =	sld [smem:$0x3FFC];
	_ =	sdelay $0x3  }
0x95: {  	_ =	strace s4  }
0x96: {  	s4 =	sld [smem:$0x3FFD];
	_ =	sdelay $0x3  }
0x97: {  	_ =	strace s4  }
0x98: {  	_ =	strace $0x8FFFFFFF  }
0x99: {  	s19 =	sld [smem:$0x3FDB];
	_ =	sdelay $0x1  }
0x9a: {  	s5 =	simm.s32 $_scs_section_size  }
0x9b: {  	s6 =	simm.s32 $_size__tile_overlayer_lowered;
	s7 =	simm.s32 $_tile_overlayer_lowered  }
0x9c: {  	s22 =	simm.s32 $0x1BFF;
	s21 =	sshll.u32 s7, $0x1;
	s4 =	sadd.s32 s5, s19  }
0x9d: {  	s8 =	simm.s32 $0x0;
	s20 =	sshll.u32 s6, $0x1;
	s6 =	sadd.s32 s21, s4  }
0x9e: {  	[timem:s8], [sflag:s22] =	dma.local [hbm:s6], s20  }
0x9f: {  	_ =	swait.ge [sflag:s22], s20  }
0xa0: {  	s5 =	ssub.s32 $0x0, s20;
	[sflag:s22] =	ssyncset.done $0x0  }
0xa1: {  	[sflag:s22] =	ssyncadd.s32 s5;
	_ =	sdelay $0x1  }
0xa2: {  	s23 =	simm.s32 $0x1B8B  }
0xa3: {  	_ =	swait.ge [sflag:s23], $0x1  }
0xa4: {  	[sflag:s23] =	ssyncset.done $0x0  }
0xa5: {  	s25 =	simm.s32 $0x1B8E;
	s24 =	sld [smem:$0x3FFE];
	[sflag:s23] =	ssyncadd.s32 $0xFFFFFFFF  }
0xa6: {  	s26 =	simm.s32 $execute0_lowered;
	[smem:$0x3FD2] =	sst s25  }
0xa7: {  	s6 =	sshll.u32 s26, $0x1;
	_ =	strace $0x80000046;
	[dreg:$0x1] =	wrdreg $0xFFFFFFFF  }
0xa8: {  	s28 =	simm.s32 $_size_execute0_lowered;
	s4 =	sadd.s32 s4, s6;
	[dreg:$0x0] =	wrdreg $0x0  }
0xa9: {  	s6 =	sshll.u32 s28, $0x1;
	[dreg:$0x2] =	wrdreg s4  }
0xaa: {  	[dreg:$0x3] =	wrdreg s6  }
0xab: {  	[dreg:$0x4] =	wrdreg $0xC0  }
0xac: {  	_ =	task [dreg:s8], $0x5FFFF  }
0xad: {  	[dreg:$0x1] =	wrdreg $0xFFFFFFFF  }
0xae: {  	[dreg:$0x0] =	wrdreg $0x60  }
0xaf: {  	[dreg:$0x2] =	wrdreg s24  }
0xb0: {  	[dreg:$0x3] =	wrdreg s2  }
0xb1: {  	[dreg:$0x4] =	wrdreg s18  }
0xb2: {  	[dreg:$0x5] =	wrdreg $0x9  }
0xb3: {  	_ =	task.clear_ibuf [dreg:s8], $0x6FFFF;
	_ =	strace $0x90000046  }
0xb4: {  	s29 =	simm.s32 $0x9;
	_ =	strace $0x80000048  }
0xb5: {  	_ =	swait.ge [sflag:s29], $0x1  }
0xb6: {  	[sflag:s29] =	ssyncadd.s32 $0xFFFFFFFF  }
0xb7: {  	_ =	strace $0x90000048  }
0xb8: {  	_ =	sfence  }
0xb9: {  	s30 =	sld [smem:$0x0];
	_ =	sdelay $0x2  }
0xba: {  	s31 =	sshll.u32 s1, $0xD;
	s1 =	sshrl.u32 s1, $0x2  }
0xbb: {  	s3 =	sand.u32 $0x4000, s31;
	s1 =	sadd.s32 s1, s30  }
0xbc: {  	s0 =	sor.u32 s3, s0;
	s1 =	sshll.u32 s1, $0x11  }
0xbd: {  	s0 =	sor.u32 s1, s0  }
0xbe: {  	s0 =	sadd.s32 $0x8F2B, s0  }
0xbf: {  	[sflag:s0] =	ssyncadd.remote.s32 $0x1  }
0xc0: {  	_ =	sfence.sel $0xFFFF  }
0xc1: {  	[dreg:$0x0] =	wrdreg $0xFFFFFFFF;
	(pc) =	sbr.abs _section_cstart, $3  }
0xc2: {  	[dreg:$0x1] =	wrdreg $0xFFFFFFFF  }
0xc3: {  	_ =	task.clear_ibuf [dreg:s8], $0x2FFFF;
	_ =	strace $0x9FFFFFFF  }
0xc4: {  	(tm) =	ssettm $0x7FFFFFFF  }
0xc5: {  	_ =	shalt  }
tec
execute0_lowered:
.L_overlay_start_1:
0x0: {  	(tag) =	ssettag $0x1  }
0x1: {  	s0 =	rddreg [dreg:$0x0]  }
0x2: {  	s1 =	srdreg.scid;
	s2 =	stileid.u32  }
0x3: {  	s9 =	rddreg [dreg:$0x2];
	s4 =	simm.s32 $0x0;
	s16 =	simm.s32 $0x8C80  }
0x4: {  	s17 =	simm.s32 $0x1;
	s18 =	simm.s32 $0x8880;
	s19 =	simm.s32 $0xCD00  }
0x5: {  	s21 =	simm.s32 $0x1EF00;
	s24 =	simm.s32 $0x2;
	s1 =	sand.u32 $0x1, s1  }
0x6: {  	s2 =	sshll.u32 s2, $0x1;
	[smem:$0x7FF] =	sst s4;
	s6 =	sadd.s32 $0x187000, s0  }
0x7: {  	s25 =	sadd.s32 $0x600, s0;
	s8 =	sadd.s32 $0x1C7000, s0;
	s28 =	sadd.s32 $0x186780, s9  }
0x8: {  	s29 =	sadd.s32 $0x186D80, s0;
	s30 =	sadd.s32 $0x34D780, s0;
	s3 =	sor.u32 s1, s2  }
0x9: {  	_ =	strace $0x80000047;
	[dreg:$0x4] =	wrdreg s25;
	s5 =	smul.u32 $0xC38, s3  }
.Ltmp0:
0xa: {  	s1 =	ssub.s32 $0x2, s1;
	[dreg:$0x5] =	wrdreg s28;
	(pc) =	sbr.rel .LBB2_1-.Ltmp0, $4  }
0xb: {  	s0 =	sadd.s32 $0x4D4180, s0;
	[dreg:$0x6] =	wrdreg s29;
	s7 =	sshrl.u32 s1, $0x1  }
0xc: {  	v2 =	vimm.s32 $0x0;
	v3 =	vimm.s32 $0xFFFFFFFF;
	[dreg:$0x7] =	wrdreg s30;
	s1 =	ssub.s32 s1, s7;
	s26 =	smin.u32 s5, $0x17A68  }
0xd: {  	v4 =	vlaneseq.u32;
	v5 =	vimm.s32 $0x4000;
	v6 =	vimm.f32 $0.0e+00;
	[dreg:$0x8] =	wrdreg s0;
	s31 =	smax.u32 s1, $0x1;
	s2 =	sadd.s32 $0xC38, s26  }
0xe: {  	v7 =	vimm.f32 $1.000000000e+00;
	p0 =	seq.s32 s3, $0x1F;
	v0 =	vmov s5;
	s1 =	simm.s32 $0x0;
	[dreg:$0x9] =	wrdreg s31;
	v1 =	vmov s2  }
.LBB2_38:
0xf: {  	s0 =	rddreg [dreg:$0x7];
	s1 =	simm.s32 $0x16700  }
0x10: {  	[hbm4b:s0+s4] =	stream.linear.scatter [tilespmem:s1], [sflag:$0x1], $0x1400, $0x38;
	[tilespmem:$0x1F080] =	vst v63  }
0x11: {  	s30 =	rddreg [dreg:$0x8];
	s31 =	simm.s32 $0x1AB00  }
0x12: {  	[hbm4b:s30+s4] =	stream.linear.scatter [tilespmem:s31], [sflag:$0x2], $0x1400, $0x38;
	[tilespmem:$0x1F080] =	vst v63  }
0x13: {  	_ =	swait.ge [sflag:s17], $0x1400  }
0x14: {  	[sflag:s17] =	ssyncset.done $0x0  }
0x15: {  	[sflag:s17] =	ssyncadd.s32 $0xFFFFEC00  }
0x16: {  	_ =	swait.ge [sflag:s24], $0x1400  }
0x17: {  	[sflag:s24] =	ssyncset.done $0x0  }
0x18: {  	[sflag:s24] =	ssyncadd.s32 $0xFFFFEC00  }
.LBB2_36:
0x19: {  	s1 =	rddreg [dreg:$0xa]  }
0x1a: {  	s0 =	rddreg [dreg:$0x9];
	s1 =	sadd.s32 $0x1, s1  }
0x1b: {  	p1 =	sne.s32 s1, s0  }
.Ltmp1:
0x1c: {  	_ = 	snop;
	(pc) =	sbr.rel @!p1 .LBB2_37-.Ltmp1, $1  }
0x1d: {  	_ =	sdelay $0x3  }
.LBB2_1:
0x1e: {  	[tilespmem:$0xCD00] =	vst v2  }
0x1f: {  	[tilespmem:$0xCD10] =	vst v2  }
0x20: {  	[tilespmem:$0xCD20] =	vst v2  }
0x21: {  	[tilespmem:$0xCD30] =	vst v2  }
0x22: {  	[tilespmem:$0xCD40] =	vst v2  }
0x23: {  	[tilespmem:$0xCD50] =	vst v2  }
0x24: {  	[tilespmem:$0xCD60] =	vst v2  }
0x25: {  	[tilespmem:$0xCD70] =	vst v2  }
0x26: {  	[tilespmem:$0xCD80] =	vst v2  }
0x27: {  	[tilespmem:$0xCD90] =	vst v2  }
0x28: {  	[tilespmem:$0xCDA0] =	vst v2  }
0x29: {  	[tilespmem:$0xCDB0] =	vst v2  }
0x2a: {  	[tilespmem:$0xCDC0] =	vst v2  }
0x2b: {  	[tilespmem:$0xCDD0] =	vst v2  }
0x2c: {  	[tilespmem:$0xCDE0] =	vst v2  }
0x2d: {  	[tilespmem:$0xCDF0] =	vst v2  }
0x2e: {  	[tilespmem:$0xCE00] =	vst v2  }
0x2f: {  	[dreg:$0xa] =	wrdreg s1;
	[tilespmem:$0xCE10] =	vst v2  }
0x30: {  	[tilespmem:$0xCE20] =	vst v2;
	s0 =	rddreg [dreg:$0x1];
	s31 =	simm.s32 $0xA  }
0x31: {  	[tilespmem:s4], [sflag:$0xA] =	stream.linear.gather [hbm4b:s0+s4], $0x4000, $0x38;
	[tilespmem:$0x1F080] =	vst v63  }
0x32: {  	_ =	swait.ge [sflag:s31], $0x4000  }
0x33: {  	[sflag:s31] =	ssyncset.done $0x0  }
0x34: {  	[sflag:s31] =	ssyncadd.s32 $0xFFFFC000  }
0x35: {  	[tilespmem:$0x4000] =	vst v3  }
0x36: {  	v8 =	vld [tilespmem:s4+$0x0];
	_ =	sdelay $0x4  }
0x37: {  	vm0 =	vge.s32 v8, v0;
	vm1 =	vlt.s32 v8, v1  }
0x38: {  	vm0 =	vmand vm0, vm1  }
0x39: {  	v8 =	vmpcnt.ones.xlane vm0;
	_ =	sdelay $0x1  }
0x3a: {  	(v2sf) =	vpush v8, $0x0;
	v8 =	vsel vm0, $0x1, v2  }
0x3b: {  	(xrf0) =	vadd.scan.msk.s32 $0xffff, v8;
	_ =	sdelay $0x4  }
0x3c: {  	v8 =	vsel vm0, $0xFFFFFFFF, v2  }
0x3d: {  	v8 =	vadd.s32 s4, v8;
	v9, _, _ =	vpop (xrf0)  }
0x3e: {  	v8 =	vadd.s32 v9, v8;
	_ =	sdelay $0x3  }
0x3f: {  	v9 =	vor.u32 s4, v4  }
0x40: {  	s0 =	simm.s32 $0x10;
	[tilespmem:v8+s16+$0x0] =	vst.idx.msk vm0, v9  }
0x41: {  	v8 =	vld [tilespmem:s0+$0x0]  }
0x42: {  	s3 =	simm.s32 $0x20  }
0x43: {  	s1 =	simm.s32 $0x0;
	s7 =	simm.s32 $0x10;
	s9 =	spop (v2sf)  }
.LBB2_2:
0x44: {  	p1 =	sne.s32 s3, $0x3FF0  }
0x45: {  	s1 =	sadd.s32 s1, s9;
	s9 =	smov.u32 s3;
	s3 =	sadd.s32 $0x10, s3  }
0x46: {  	vm0 =	vge.s32 v8, v0;
	vm1 =	vlt.s32 v8, v1  }
0x47: {  	vm0 =	vmand vm0, vm1  }
0x48: {  	v8 =	vsel vm0, $0xFFFFFFFF, v2;
	v9 =	vsel vm0, $0x1, v2;
	v10 =	vmpcnt.ones.xlane vm0  }
0x49: {  	(xrf0) =	vadd.scan.msk.s32 $0xffff, v9  }
0x4a: {  	(v2sf) =	vpush v10, $0x0;
	_ =	sdelay $0x4  }
0x4b: {  	v8 =	vadd.s32 s1, v8;
	v9, _, _ =	vpop (xrf0)  }
0x4c: {  	v8 =	vadd.s32 v9, v8;
	_ =	sdelay $0x3  }
0x4d: {  	v9 =	vor.u32 s0, v4;
	s0 =	smov.u32 s9  }
.Ltmp2:
0x4e: {  	s7 =	sadd.s32 $0x10, s7;
	[tilespmem:v8+s16+$0x0] =	vst.idx.msk vm0, v9;
	(pc) =	sbr.rel @p1 .LBB2_2-.Ltmp2, $2  }
0x4f: {  	v8 =	vld [tilespmem:s7+$0x0];
	_ =	sdelay $0x2  }
0x50: {  	s9 =	spop (v2sf)  }
0x51: {  	_ = 	snop  }
0x52: {  	vm0 =	vge.s32 v8, v0;
	vm1 =	vlt.s32 v8, v1  }
0x53: {  	vm0 =	vmand vm0, vm1  }
0x54: {  	v8 =	vmpcnt.ones.xlane vm0;
	_ =	sdelay $0x1  }
0x55: {  	(v2sf) =	vpush v8, $0x0;
	_ =	sdelay $0x9  }
0x56: {  	v8 =	vsel vm0, $0x1, v2  }
0x57: {  	(xrf0) =	vadd.scan.msk.s32 $0xffff, v8;
	_ =	sdelay $0x3  }
0x58: {  	s1 =	sadd.s32 s1, s9;
	s3 =	spop (v2sf)  }
0x59: {  	v8 =	vsel vm0, $0xFFFFFFFF, v2;
	s26 =	sadd.s32 s1, s3  }
0x5a: {  	v8 =	vadd.s32 s1, v8;
	v9, _, _ =	vpop (xrf0);
	s3 =	sadd.s32 $0xF, s26  }
0x5b: {  	v8 =	vadd.s32 v9, v8;
	s23 =	sand.u32 $0xF, s3  }
0x5c: {  	s7 =	sshra.s32 s3, $0x1F;
	p1 =	slt.s32 s3, $0x1;
	p2 =	sne.s32 s23, $0x0  }
.Ltmp3:
0x5d: {  	s25 =	sshrl.u32 s7, $0x1C;
	p1 =	por !p1, !p2;
	(pc) =	sbr.rel .LBB2_4-.Ltmp3, $4  }
0x5e: {  	s1 =	sadd.s32 s25, s3;
	s3 =	simm.s32 $0x1;
	p1 =	por !p1, !p1  }
0x5f: {  	v63 =	vor.u32 s0, v4;
	s29 =	simm.s32 $0x0;
	s1 =	sshra.s32 s1, $0x4;
	s3 =	simm.s32 @!p1 $0x0  }
0x60: {  	s30 =	simm.s32 $0x8560;
	s31 =	simm.s32 $0xFFFFFFFB;
	[tilespmem:v8+s16+$0x0] =	vst.idx.msk vm0, v63;
	s28 =	ssub.s32 s1, s3  }
0x61: {  	s0 =	simm.s32 $0x5680;
	[tilespmem:s26+$0x8C80] =	vst v5;
	s1 =	simm.s32 $0xCC10;
	p1 =	slt.s32 s28, $0x1  }
.LBB2_35:
0x62: {  	s29 =	sadd.s32 $0x1, s29  }
0x63: {  	p2 =	sne.s32 s29, $0x1C  }
.Ltmp4:
0x64: {  	_ = 	snop;
	(pc) =	sbr.rel @!p2 .LBB2_36-.Ltmp4, $3  }
0x65: {  	_ =	sdelay $0x1  }
0x66: {  	s30 =	sadd.s32 $0xA0, s30  }
0x67: {  	s31 =	sadd.s32 $0x1, s31;
	s1 =	sadd.s32 $0x30, s1;
	s0 =	sadd.s32 $0x1800, s0  }
.LBB2_4:
0x68: {  	p2 =	sgt.u32 s29, $0x16  }
.Ltmp5:
0x69: {  	_ = 	snop;
	(pc) =	sbr.rel @p2 .LBB2_13-.Ltmp5, $1  }
0x6a: {  	_ =	sdelay $0x3  }
0x6b: {  	s3 =	smul.u32 $0xAB, s29;
	_ =	sdelay $0x1  }
0x6c: {  	s3 =	sshrl.u32 s3, $0xA  }
0x6d: {  	s3 =	sand.u32 $0x3F, s3  }
0x6e: {  	s3 =	smul.u32 $0x6, s3;
	_ =	sdelay $0x1  }
0x6f: {  	s3 =	ssub.s32 s29, s3  }
0x70: {  	s3 =	sand.u32 $0xFF, s3  }
0x71: {  	s7 =	smul.u32 $0xA0, s3;
	_ =	sdelay $0x1  }
0x72: {  	[tilespmem:s7+$0x8880] =	vst v6  }
0x73: {  	[tilespmem:s7+$0x8890] =	vst v6  }
0x74: {  	[tilespmem:s7+$0x88A0] =	vst v6  }
0x75: {  	[tilespmem:s7+$0x88B0] =	vst v6  }
0x76: {  	[tilespmem:s7+$0x88C0] =	vst v6  }
.Ltmp6:
0x77: {  	[tilespmem:s7+$0x88D0] =	vst v6;
	(pc) =	sbr.rel @p1 .LBB2_6-.Ltmp6, $4  }
0x78: {  	[tilespmem:s7+$0x88E0] =	vst v6  }
0x79: {  	[tilespmem:s7+$0x88F0] =	vst v6  }
0x7a: {  	[tilespmem:s7+$0x8900] =	vst v6  }
0x7b: {  	[tilespmem:s7+$0x8910] =	vst v6  }
0x7c: {  	s9 =	smul.u32 $0x88, s29  }
0x7d: {  	p3 =	sne.s32 s28, $0x1  }
.Ltmp7:
0x7e: {  	s10 =	sadd.s32 s5, s9;
	(pc) =	sbr.rel @!p3 .LBB2_11-.Ltmp7, $4  }
0x7f: {  	s14 =	smov.u32 s2;
	s12 =	simm.s32 $0x0;
	s11 =	sadd.s32 $0x88, s10  }
0x80: {  	s13 =	simm.s32 $0x8C80;
	s9 =	smul.u32 $0x30, s3;
	p2 =	slt.s32 s11, s2  }
0x81: {  	s15 =	simm.s32 $0x8C80;
	s25 =	ssub.s32 s7, s10;
	v10 =	vmov s10;
	s14 =	smov.u32 @p2 s11  }
0x82: {  	s7 =	sadd.s32 $0xFFFFFFFF, s28;
	v9 =	vmov s25;
	v8 =	vmov s9;
	p2 =	por $0x0, $0x0;
	v11 =	vmov s14;
	s14 =	simm.s32 $0x0  }
0x83: {  	v12 =	vld [tilespmem:s13+$0x0];
	_ =	sdelay $0x7  }
0x84: {  	v13 =	vld.idx.msk [tilespmem:v12+s4+$0x0], $0xffff;
	_ =	sdelay $0x4  }
0x85: {  	vm0 =	vge.s32 v13, v10;
	vm1 =	vlt.s32 v13, v11  }
0x86: {  	vm1 =	vmand vm0, vm1  }
0x87: {  	v14 =	vsel vm1, $0x1, v2  }
0x88: {  	(xrf0) =	vadd.scan.msk.s32 $0xffff, v14;
	_ =	sdelay $0x4  }
0x89: {  	v14 =	vadd.s32 v13, v9;
	v13 =	vsel vm1, $0xFFFFFFFF, v2  }
0x8a: {  	v13 =	vadd.s32 s12, v13;
	v15, _, _ =	vpop (xrf0)  }
0x8b: {  	v13 =	vadd.s32 v15, v13;
	v15 =	vmpcnt.ones.xlane vm1;
	_ =	sdelay $0x1  }
0x8c: {  	(v2sf) =	vpush v15, $0x0;
	_ =	sdelay $0x6  }
0x8d: {  	vm0 =	vlt.s32 v13, $0x30  }
0x8e: {  	p3 =	sne.s32 s7, $0x1;
	vm0 =	vmand vm1, vm0  }
.Ltmp8:
0x8f: {  	v13 =	vadd.s32 v8, v13;
	(pc) =	sbr.rel @!p3 .LBB2_9-.Ltmp8, $3  }
0x90: {  	_ =	sdelay $0x1  }
0x91: {  	s20 =	sadd.s32 $0xFFFFFFFF, s7  }
0x92: {  	p2 =	por $0x1, $0x1;
	s15 =	simm.s32 $0x8C80;
	s14 =	simm.s32 $0x0;
	[tilespmem:v14+s18+$0x0] =	vst.idx.add.f32.msk vm1, v7  }
.LBB2_10:
0x93: {  	p3 =	sne.s32 s20, $0x1;
	[tilespmem:v13+s19+$0x0] =	vst.idx.msk vm0, v12;
	s15 =	sadd.s32 $0x10, s15  }
0x94: {  	v12 =	vld [tilespmem:s15+$0x0];
	s7 =	spop (v2sf)  }
0x95: {  	s14 =	sadd.s32 s14, s7;
	_ =	sdelay $0x6  }
0x96: {  	v13 =	vld.idx.msk [tilespmem:v12+s4+$0x0], $0xffff;
	_ =	sdelay $0x5  }
0x97: {  	vm0 =	vge.s32 v13, v10;
	vm1 =	vlt.s32 v13, v11  }
0x98: {  	vm1 =	vmand vm0, vm1  }
0x99: {  	v14 =	vsel vm1, $0x1, v2;
	v15 =	vmpcnt.ones.xlane vm1  }
0x9a: {  	(xrf0) =	vadd.scan.msk.s32 $0xffff, v14  }
0x9b: {  	(v2sf) =	vpush v15, $0x0;
	_ =	sdelay $0x3  }
0x9c: {  	v14 =	vsel vm1, $0xFFFFFFFF, v2  }
0x9d: {  	v14 =	vadd.s32 s14, v14;
	v15, _, _ =	vpop (xrf0)  }
0x9e: {  	v14 =	vadd.s32 v15, v14  }
0x9f: {  	vm0 =	vlt.s32 v14, $0x30  }
0xa0: {  	v15 =	vadd.s32 v13, v9;
	vm0 =	vmand vm1, vm0  }
.Ltmp9:
0xa1: {  	v13 =	vadd.s32 v8, v14;
	(pc) =	sbr.rel @p3 .LBB2_10-.Ltmp9, $2  }
0xa2: {  	_ =	sdelay $0x2  }
0xa3: {  	s20 =	sadd.s32 $0xFFFFFFFF, s20;
	[tilespmem:v15+s18+$0x0] =	vst.idx.add.f32.msk vm1, v7  }
.LBB2_11:
0xa4: {  	_ =	sdelay $0x3  }
0xa5: {  	s7 =	sadd.s32 @p2 $0x10, s15  }
0xa6: {  	[tilespmem:v13+s19+$0x0] =	vst.idx.msk @p2 vm0, v12;
	s13 =	smov.u32 @p2 s7  }
0xa7: {  	v12 =	vld [tilespmem:s13+$0x0];
	_ =	sdelay $0x7  }
0xa8: {  	v13 =	vld.idx.msk [tilespmem:v12+s4+$0x0], $0xffff;
	_ =	sdelay $0x4  }
0xa9: {  	vm14 =	vge.s32 v13, v10;
	vm1 =	vlt.s32 v13, v11  }
0xaa: {  	vm0 =	vmand vm14, vm1  }
0xab: {  	v60 =	vmpcnt.ones.xlane vm0;
	_ =	sdelay $0x1  }
0xac: {  	(v2sf) =	vpush v60, $0x0;
	_ =	sdelay $0x4  }
0xad: {  	v61 =	vsel vm0, $0x1, v2  }
0xae: {  	(xrf0) =	vadd.scan.msk.s32 $0xffff, v61;
	_ =	sdelay $0x2  }
0xaf: {  	s7 =	spop @p2 (v2sf)  }
0xb0: {  	s7 =	sadd.s32 @p2 s14, s7  }
0xb1: {  	s12 =	smov.u32 @p2 s7;
	v62 =	vsel vm0, $0xFFFFFFFF, v2  }
0xb2: {  	v10 =	vadd.s32 s12, v62;
	v63, _, _ =	vpop (xrf0)  }
0xb3: {  	v10 =	vadd.s32 v63, v10  }
0xb4: {  	vm15 =	vlt.s32 v10, $0x30  }
0xb5: {  	v9 =	vadd.s32 v13, v9;
	vm1 =	vmand vm0, vm15;
	s25 =	spop (v2sf)  }
0xb6: {  	v8 =	vadd.s32 v8, v10;
	s7 =	sadd.s32 s12, s25  }
0xb7: {  	p2 =	slt.s32 s7, $0x1  }
0xb8: {  	s10 =	smul.u32 @!p2 $0x6000, s3  }
0xb9: {  	s12 =	sadd.s32 @!p2 $0xCD00, s9  }
0xba: {  	[tilespmem:v9+s18+$0x0] =	vst.idx.add.f32.msk vm0, v7;
	s13 =	sadd.s32 @!p2 $0x4, s3;
	p3 =	slt.u32 @!p2 s7, $0x11;
	s10 =	sshrl.u32 @!p2 s10, $0x2  }
0xbb: {  	[tilespmem:v8+s19+$0x0] =	vst.idx.msk vm1, v12;
	s14 =	simm.s32 @!p2 $0x10;
	p4 =	por p3, p2;
	s11 =	sadd.s32 @!p2 $0xCE80, s10  }
0xbc: {  	[tilespmem:s11], [sflag:s13] =	stream.indirect.gather @!p2 [hbm4b:s6+s14], $0x80, s12, s14, $0xb8;
	[tilespmem:$0x1F080] =	vst v63  }
0xbd: {  	s11 =	sadd.s32 @!p4 $0xD680, s10;
	s12 =	sadd.s32 @!p4 $0xCD10, s9;
	s14 =	simm.s32 @!p4 $0x10  }
0xbe: {  	[tilespmem:s11], [sflag:s13] =	stream.indirect.gather @!p4 [hbm4b:s6+s14], $0x80, s12, s14, $0xb8;
	[tilespmem:$0x1F080] =	vst v63  }
.Ltmp10:
0xbf: {  	p4 =	slt.u32 @!p4 s7, $0x21;
	(pc) =	sbr.rel .LBB2_12-.Ltmp10, $4  }
0xc0: {  	p3 =	por @!p2 p4, p3  }
0xc1: {  	p2 =	por p3, p2  }
0xc2: {  	s10 =	sadd.s32 @!p2 $0xDE80, s10;
	s9 =	sadd.s32 @!p2 $0xCD20, s9;
	s11 =	simm.s32 @!p2 $0x10  }
0xc3: {  	[tilespmem:s10], [sflag:s13] =	stream.indirect.gather @!p2 [hbm4b:s6+s11], $0x80, s9, s11, $0xb8;
	[tilespmem:$0x1F080] =	vst v63  }
.LBB2_6:
0xc4: {  	s7 =	simm.s32 $0x0  }
.LBB2_12:
0xc5: {  	v8 =	vmov s3;
	p2 =	slt.u32 s29, $0x5  }
.Ltmp11:
0xc6: {  	_ = 	snop;
	(pc) =	sbr.rel @p2 .LBB2_35-.Ltmp11, $3  }
0xc7: {  	_ =	sdelay $0x1  }
0xc8: {  	v9 =	vmov s7;
	s25 =	simm.s32 $0x1F000  }
0xc9: {  	[tilespmem:v8+s25+$0x0] =	vst.idx.msk $0x1, v9  }
.LBB2_13:
0xca: {  	s3 =	sadd.s32 $0xFFFFFFFB, s29  }
0xcb: {  	s7 =	smulhi.u32 $0xAAAAAAAB, s3;
	_ =	sdelay $0x1  }
0xcc: {  	s7 =	sshrl.u32 s7, $0x2  }
0xcd: {  	s7 =	smul.u32 $0x6, s7;
	_ =	sdelay $0x1  }
0xce: {  	s13 =	smulhi.u32 $0xAAAAAAAB, s31;
	s22 =	ssub.s32 s3, s7  }
0xcf: {  	p2 =	seq.s32 s29, $0x1B;
	s3 =	smul.u32 $0x88, s3;
	s7 =	sor.u32 $0x1F000, s22  }
0xd0: {  	s9 =	smov.u32 s2;
	p2 =	por !p0, !p2;
	v8 =	vld [tilespmem:s7+$0x0];
	s7 =	sshrl.u32 s13, $0x2  }
0xd1: {  	p2 =	por !p2, !p2;
	s12 =	sadd.s32 s5, s3;
	s10 =	smul.u32 $0xFFFFFB80, s7  }
0xd2: {  	s11 =	simm.s32 @p2 $0x16700;
	s3 =	sadd.s32 $0x88, s12;
	s20 =	smul.u32 $0xFFFDC000, s7  }
0xd3: {  	s13 =	rddreg [dreg:$0x5];
	s7 =	smul.u32 $0xFFFFF100, s7;
	p3 =	slt.s32 s3, s2  }
0xd4: {  	s9 =	smov.u32 @p3 s3;
	s14 =	sshra.s32 s10, $0x2;
	s10 =	simm.s32 @p2 $0x0  }
0xd5: {  	[tilespmem:s11], [sflag:$0x1] =	stream.linear.gather @p2 [hbm4b:s13+s10], $0x1400, $0x38;
	[tilespmem:$0x1F080] =	vst v63  }
0xd6: {  	s3 =	sadd.s32 s14, s1;
	s13 =	simm.s32 @p2 $0x1AB00;
	s14 =	rddreg [dreg:$0x6]  }
0xd7: {  	(v2sf) =	vpush v8, $0x0;
	[tilespmem:s13], [sflag:$0x2] =	stream.linear.gather @p2 [hbm4b:s14+s10], $0x1400, $0x38;
	[tilespmem:$0x1F080] =	vst v63  }
0xd8: {  	s11 =	sshll.u32 @!p2 s12, $0x4;
	s10 =	sshra.s32 s20, $0x2;
	s13 =	rddreg [dreg:$0x2]  }
0xd9: {  	s14 =	simm.s32 @!p2 $0x0;
	s20 =	simm.s32 @!p2 $0x16700;
	s13 =	sadd.s32 @!p2 s13, s11  }
0xda: {  	[tilespmem:s20], [sflag:$0x1] =	stream.linear.gather @!p2 [hbm4b:s13+s14], $0x4400, $0x38;
	[tilespmem:$0x1F080] =	vst v63  }
0xdb: {  	s7 =	sshra.s32 s7, $0x2;
	s13 =	rddreg [dreg:$0x4]  }
0xdc: {  	s7 =	sadd.s32 s7, s30;
	s11 =	sadd.s32 @!p2 s13, s11;
	s13 =	simm.s32 @!p2 $0x1AB00  }
0xdd: {  	[tilespmem:s13], [sflag:$0x2] =	stream.linear.gather @!p2 [hbm4b:s11+s14], $0x4400, $0x38;
	[tilespmem:$0x1F080] =	vst v63  }
0xde: {  	v8 =	vld [tilespmem:s7+$0x0];
	_ =	sdelay $0x4  }
0xdf: {  	vm0 =	vgt.f32 v8, $0.0e+00  }
0xe0: {  	v8 =	vmpcnt.ones.xlane vm0;
	_ =	sdelay $0x1  }
0xe1: {  	s23 =	spop (v2sf);
	(v2sf) =	vpush v8, $0x0;
	v8 =	vsel vm0, $0x1, v2  }
0xe2: {  	(xrf0) =	vadd.scan.msk.s32 $0xffff, v8;
	_ =	sdelay $0x4  }
0xe3: {  	s14 =	simm.s32 $0x0;
	v8 =	vsel vm0, $0xFFFFFFFF, v2  }
0xe4: {  	v8 =	vadd.s32 s14, v8;
	v9, _, _ =	vpop (xrf0)  }
0xe5: {  	v8 =	vadd.s32 v9, v8;
	_ =	sdelay $0x3  }
0xe6: {  	s25 =	smul.u32 $0x280, s22;
	v9 =	vor.u32 s14, v4  }
0xe7: {  	s7 =	sadd.s32 $0x10, s7;
	[tilespmem:v8+s21+$0x0] =	vst.idx.msk vm0, v9  }
0xe8: {  	s25 =	sshra.s32 s25, $0x2;
	s20 =	sadd.s32 s10, s0;
	s10 =	simm.s32 $0x20;
	v8 =	vld [tilespmem:s7+$0x0]  }
0xe9: {  	s13 =	sadd.s32 $0x8880, s25;
	p4 =	slt.s32 s23, $0x30;
	s15 =	smov.u32 s23  }
0xea: {  	s25 =	simm.s32 $0x10;
	s15 =	simm.s32 @!p4 $0x30;
	s11 =	spop (v2sf)  }
.LBB2_14:
0xeb: {  	p3 =	seq.s32 s10, $0x90  }
0xec: {  	s14 =	sadd.s32 s14, s11;
	s11 =	smov.u32 s10;
	s10 =	sadd.s32 $0x10, s10  }
0xed: {  	vm0 =	vgt.f32 v8, $0.0e+00  }
0xee: {  	v8 =	vsel vm0, $0xFFFFFFFF, v2;
	v9 =	vsel vm0, $0x1, v2;
	v10 =	vmpcnt.ones.xlane vm0  }
0xef: {  	(xrf0) =	vadd.scan.msk.s32 $0xffff, v9  }
0xf0: {  	(v2sf) =	vpush v10, $0x0;
	_ =	sdelay $0x4  }
0xf1: {  	v8 =	vadd.s32 s14, v8;
	v9, _, _ =	vpop (xrf0)  }
0xf2: {  	v8 =	vadd.s32 v9, v8;
	_ =	sdelay $0x3  }
0xf3: {  	v9 =	vor.u32 s25, v4;
	s25 =	smov.u32 s11  }
.Ltmp12:
0xf4: {  	s7 =	sadd.s32 $0x10, s7;
	[tilespmem:v8+s21+$0x0] =	vst.idx.msk vm0, v9;
	(pc) =	sbr.rel @!p3 .LBB2_14-.Ltmp12, $2  }
0xf5: {  	v8 =	vld [tilespmem:s7+$0x0];
	_ =	sdelay $0x2  }
0xf6: {  	s11 =	spop (v2sf)  }
0xf7: {  	_ = 	snop  }
0xf8: {  	vm0 =	vgt.f32 v8, $0.0e+00  }
0xf9: {  	v8 =	vmpcnt.ones.xlane vm0;
	_ =	sdelay $0x1  }
0xfa: {  	(v2sf) =	vpush v8, $0x0;
	_ =	sdelay $0x8  }
0xfb: {  	v8 =	vsel vm0, $0x1, v2  }
0xfc: {  	(xrf0) =	vadd.scan.msk.s32 $0xffff, v8;
	_ =	sdelay $0x4  }
0xfd: {  	s7 =	sadd.s32 s14, s11;
	v8 =	vsel vm0, $0xFFFFFFFF, v2;
	s10 =	spop (v2sf)  }
0xfe: {  	v8 =	vadd.s32 s7, v8;
	v9, _, _ =	vpop (xrf0);
	s11 =	sadd.s32 s7, s10  }
0xff: {  	v8 =	vadd.s32 v9, v8;
	p3 =	slt.s32 s11, $0x1  }
.Ltmp13:
0x100: {  	_ = 	snop;
	(pc) =	sbr.rel @p3 .LBB2_19-.Ltmp13, $3  }
0x101: {  	_ =	sdelay $0x1  }
0x102: {  	v63 =	vor.u32 s25, v4  }
0x103: {  	[tilespmem:v8+s21+$0x0] =	vst.idx.msk vm0, v63;
	s14 =	sadd.s32 s7, s10  }
0x104: {  	p4 =	sne.s32 s14, $0x1  }
.Ltmp14:
0x105: {  	_ = 	snop;
	(pc) =	sbr.rel @!p4 .LBB2_18-.Ltmp14, $3  }
0x106: {  	_ =	sdelay $0x1  }
0x107: {  	s25 =	simm.s32 $0x1EF00  }
0x108: {  	s7 =	sadd.s32 $0xFFFFFFFF, s14;
	v8 =	vld [tilespmem:s25+$0x0]  }
.LBB2_17:
0x109: {  	p4 =	sne.s32 s7, $0x1;
	_ =	sdelay $0x3  }
0x10a: {  	(v2sf) =	vpush v8, $0x0;
	_ =	sdelay $0xe  }
0x10b: {  	s10 =	spop (v2sf)  }
0x10c: {  	s10 =	sshll.u32 s10, $0x9  }
0x10d: {  	s10 =	sshra.s32 s10, $0x2  }
0x10e: {  	[tilespmem:s10+$0x4080] =	vst v6  }
0x10f: {  	[tilespmem:s10+$0x4090] =	vst v6  }
0x110: {  	[tilespmem:s10+$0x40A0] =	vst v6  }
0x111: {  	[tilespmem:s10+$0x40B0] =	vst v6  }
.Ltmp15:
0x112: {  	[tilespmem:s10+$0x40C0] =	vst v6;
	(pc) =	sbr.rel @p4 .LBB2_17-.Ltmp15, $4  }
0x113: {  	[tilespmem:s10+$0x40D0] =	vst v6  }
0x114: {  	[tilespmem:s10+$0x40E0] =	vst v6  }
0x115: {  	s25 =	sadd.s32 $0x1, s25;
	[tilespmem:s10+$0x40F0] =	vst v6  }
0x116: {  	s7 =	sadd.s32 $0xFFFFFFFF, s7;
	v8 =	vld [tilespmem:s25+$0x0]  }
.LBB2_18:
0x117: {  	_ =	sdelay $0x3  }
0x118: {  	(v2sf) =	vpush v8, $0x0;
	_ =	sdelay $0xe  }
0x119: {  	s7 =	spop (v2sf)  }
0x11a: {  	s7 =	sshll.u32 s7, $0x9  }
0x11b: {  	s7 =	sshra.s32 s7, $0x2  }
0x11c: {  	[tilespmem:s7+$0x4080] =	vst v6  }
0x11d: {  	[tilespmem:s7+$0x4090] =	vst v6  }
0x11e: {  	[tilespmem:s7+$0x40A0] =	vst v6  }
0x11f: {  	[tilespmem:s7+$0x40B0] =	vst v6  }
0x120: {  	[tilespmem:s7+$0x40C0] =	vst v6  }
0x121: {  	[tilespmem:s7+$0x40D0] =	vst v6  }
0x122: {  	[tilespmem:s7+$0x40E0] =	vst v6  }
0x123: {  	[tilespmem:s7+$0x40F0] =	vst v6  }
.LBB2_19:
0x124: {  	p4 =	slt.s32 s23, $0x1  }
.Ltmp16:
0x125: {  	_ = 	snop;
	(pc) =	sbr.rel @p4 .LBB2_29-.Ltmp16, $1  }
0x126: {  	_ =	sdelay $0x3  }
0x127: {  	s7 =	sadd.s32 $0x4, s22  }
0x128: {  	_ =	swait.ge [sflag:s7], $0x800  }
0x129: {  	[sflag:s7] =	ssyncset.done $0x0  }
0x12a: {  	p4 =	slt.u32 s23, $0x11;
	[sflag:s7] =	ssyncadd.s32 $0xFFFFF800  }
0x12b: {  	_ =	swait.ge @!p4 [sflag:s7], $0x800  }
0x12c: {  	p5 =	slt.u32 @!p4 s23, $0x21;
	[sflag:s7] =	ssyncset.done @!p4 $0x0  }
0x12d: {  	[sflag:s7] =	ssyncadd.s32 @!p4 $0xFFFFF800;
	p4 =	por p5, p4;
	p5 =	sne.s32 s15, $0x1  }
.Ltmp17:
0x12e: {  	_ = 	snop;
	(pc) =	sbr.rel @!p5 .LBB2_21-.Ltmp17, $4  }
0x12f: {  	_ =	swait.ge @!p4 [sflag:s7], $0x800  }
0x130: {  	[sflag:s7] =	ssyncset.done @!p4 $0x0  }
0x131: {  	[sflag:s7] =	ssyncadd.s32 @!p4 $0xFFFFF800  }
0x132: {  	s7 =	sadd.s32 $0xFFFFFFFF, s15;
	p4 =	por $0x0, $0x0;
	v8 =	vld [tilespmem:s3+$0x0]  }
0x133: {  	_ =	sdelay $0x3  }
0x134: {  	(v2sf) =	vpush v8, $0x0;
	_ =	sdelay $0xe  }
0x135: {  	s10 =	spop (v2sf)  }
0x136: {  	v8 =	vld [tilespmem:s10+$0x0];
	_ =	sdelay $0x4  }
0x137: {  	(v2sf) =	vpush v8, $0x0;
	_ =	sdelay $0xd  }
0x138: {  	v8 =	vld [tilespmem:s20+$0x0]  }
0x139: {  	s25 =	spop (v2sf)  }
0x13a: {  	s10 =	ssub.s32 s25, s12  }
0x13b: {  	s10 =	sshll.u32 s10, $0x9  }
0x13c: {  	s10 =	sshra.s32 s10, $0x2  }
0x13d: {  	[tilespmem:s10+$0x4080] =	vst.add.f32.msk $0xffff, v8  }
0x13e: {  	v8 =	vld [tilespmem:s20+$0x10];
	_ =	sdelay $0x4  }
0x13f: {  	[tilespmem:s10+$0x4090] =	vst.add.f32.msk $0xffff, v8  }
0x140: {  	v8 =	vld [tilespmem:s20+$0x20];
	_ =	sdelay $0x4  }
0x141: {  	[tilespmem:s10+$0x40A0] =	vst.add.f32.msk $0xffff, v8  }
0x142: {  	v8 =	vld [tilespmem:s20+$0x30];
	_ =	sdelay $0x4  }
0x143: {  	[tilespmem:s10+$0x40B0] =	vst.add.f32.msk $0xffff, v8  }
0x144: {  	v8 =	vld [tilespmem:s20+$0x40];
	_ =	sdelay $0x4  }
0x145: {  	[tilespmem:s10+$0x40C0] =	vst.add.f32.msk $0xffff, v8  }
0x146: {  	v8 =	vld [tilespmem:s20+$0x50];
	_ =	sdelay $0x4  }
0x147: {  	[tilespmem:s10+$0x40D0] =	vst.add.f32.msk $0xffff, v8  }
0x148: {  	v8 =	vld [tilespmem:s20+$0x60];
	_ =	sdelay $0x4  }
0x149: {  	[tilespmem:s10+$0x40E0] =	vst.add.f32.msk $0xffff, v8  }
0x14a: {  	v8 =	vld [tilespmem:s20+$0x70]  }
0x14b: {  	p5 =	sne.s32 s7, $0x1  }
.Ltmp18:
0x14c: {  	_ = 	snop;
	(pc) =	sbr.rel @!p5 .LBB2_23-.Ltmp18, $3  }
0x14d: {  	_ =	sdelay $0x1  }
0x14e: {  	s15 =	sadd.s32 $0x1, s3;
	[tilespmem:s10+$0x40F0] =	vst.add.f32.msk $0xffff, v8  }
0x14f: {  	s22 =	sadd.s32 $0xFFFFFFFF, s7;
	p4 =	por $0x1, $0x1;
	s3 =	smov.u32 s20;
	v8 =	vld [tilespmem:s15+$0x0]  }
.LBB2_24:
0x150: {  	p5 =	sne.s32 s22, $0x1;
	_ =	sdelay $0x3  }
0x151: {  	(v2sf) =	vpush v8, $0x0;
	_ =	sdelay $0xe  }
0x152: {  	s7 =	spop (v2sf)  }
0x153: {  	v8 =	vld [tilespmem:s7+$0x0];
	_ =	sdelay $0x4  }
0x154: {  	(v2sf) =	vpush v8, $0x0;
	_ =	sdelay $0xc  }
0x155: {  	s3 =	sadd.s32 $0x80, s3  }
0x156: {  	v8 =	vld [tilespmem:s3+$0x0]  }
0x157: {  	s7 =	spop (v2sf)  }
0x158: {  	s7 =	ssub.s32 s7, s12  }
0x159: {  	s7 =	sshll.u32 s7, $0x9  }
0x15a: {  	s7 =	sshra.s32 s7, $0x2  }
0x15b: {  	[tilespmem:s7+$0x4080] =	vst.add.f32.msk $0xffff, v8  }
0x15c: {  	v8 =	vld [tilespmem:s3+$0x10];
	_ =	sdelay $0x4  }
0x15d: {  	[tilespmem:s7+$0x4090] =	vst.add.f32.msk $0xffff, v8  }
0x15e: {  	v8 =	vld [tilespmem:s3+$0x20];
	_ =	sdelay $0x4  }
0x15f: {  	[tilespmem:s7+$0x40A0] =	vst.add.f32.msk $0xffff, v8  }
0x160: {  	v8 =	vld [tilespmem:s3+$0x30];
	_ =	sdelay $0x4  }
0x161: {  	[tilespmem:s7+$0x40B0] =	vst.add.f32.msk $0xffff, v8  }
0x162: {  	v8 =	vld [tilespmem:s3+$0x40];
	_ =	sdelay $0x4  }
0x163: {  	[tilespmem:s7+$0x40C0] =	vst.add.f32.msk $0xffff, v8  }
0x164: {  	v8 =	vld [tilespmem:s3+$0x50];
	_ =	sdelay $0x4  }
0x165: {  	[tilespmem:s7+$0x40D0] =	vst.add.f32.msk $0xffff, v8  }
0x166: {  	v8 =	vld [tilespmem:s3+$0x60];
	_ =	sdelay $0x4  }
0x167: {  	[tilespmem:s7+$0x40E0] =	vst.add.f32.msk $0xffff, v8  }
0x168: {  	v8 =	vld [tilespmem:s3+$0x70];
	_ =	sdelay $0x1  }
.Ltmp19:
0x169: {  	(pc) =	sbr.rel @p5 .LBB2_24-.Ltmp19, $3  }
0x16a: {  	_ =	sdelay $0x1  }
0x16b: {  	s15 =	sadd.s32 $0x1, s15;
	[tilespmem:s7+$0x40F0] =	vst.add.f32.msk $0xffff, v8  }
0x16c: {  	s22 =	sadd.s32 $0xFFFFFFFF, s22;
	v8 =	vld [tilespmem:s15+$0x0]  }
.LBB2_25:
0x16d: {  	_ =	sdelay $0x3  }
0x16e: {  	(v2sf) =	vpush v8, $0x0;
	_ =	sdelay $0xe  }
0x16f: {  	s7 =	spop (v2sf)  }
0x170: {  	v8 =	vld [tilespmem:s7+$0x0];
	_ =	sdelay $0x4  }
0x171: {  	(v2sf) =	vpush v8, $0x0;
	_ =	sdelay $0xb  }
0x172: {  	s3 =	sadd.s32 @p4 $0x80, s3  }
0x173: {  	s20 =	smov.u32 @p4 s3  }
0x174: {  	v8 =	vld [tilespmem:s20+$0x0]  }
0x175: {  	s25 =	spop (v2sf)  }
0x176: {  	s3 =	ssub.s32 s25, s12  }
0x177: {  	s3 =	sshll.u32 s3, $0x9  }
0x178: {  	s3 =	sshra.s32 s3, $0x2  }
0x179: {  	[tilespmem:s3+$0x4080] =	vst.add.f32.msk $0xffff, v8  }
0x17a: {  	v8 =	vld [tilespmem:s20+$0x10];
	_ =	sdelay $0x4  }
0x17b: {  	[tilespmem:s3+$0x4090] =	vst.add.f32.msk $0xffff, v8  }
0x17c: {  	v8 =	vld [tilespmem:s20+$0x20];
	_ =	sdelay $0x4  }
0x17d: {  	[tilespmem:s3+$0x40A0] =	vst.add.f32.msk $0xffff, v8  }
0x17e: {  	v8 =	vld [tilespmem:s20+$0x30];
	_ =	sdelay $0x4  }
0x17f: {  	[tilespmem:s3+$0x40B0] =	vst.add.f32.msk $0xffff, v8  }
0x180: {  	v8 =	vld [tilespmem:s20+$0x40];
	_ =	sdelay $0x4  }
0x181: {  	[tilespmem:s3+$0x40C0] =	vst.add.f32.msk $0xffff, v8  }
0x182: {  	v8 =	vld [tilespmem:s20+$0x50];
	_ =	sdelay $0x4  }
0x183: {  	[tilespmem:s3+$0x40D0] =	vst.add.f32.msk $0xffff, v8  }
0x184: {  	v8 =	vld [tilespmem:s20+$0x60];
	_ =	sdelay $0x3  }
0x185: {  	p4 =	slt.u32 s23, $0x31  }
0x186: {  	p5 =	slt.s32 @!p4 s26, $0x1;
	[tilespmem:s3+$0x40E0] =	vst.add.f32.msk $0xffff, v8  }
0x187: {  	p4 =	por p4, p5;
	v8 =	vld [tilespmem:s20+$0x70]  }
.Ltmp20:
0x188: {  	_ = 	snop;
	(pc) =	sbr.rel @p4 .LBB2_29-.Ltmp20, $2  }
0x189: {  	_ =	sdelay $0x2  }
0x18a: {  	[tilespmem:s3+$0x40F0] =	vst.add.f32.msk $0xffff, v8  }
0x18b: {  	s3 =	simm.s32 $0x8C80  }
0x18c: {  	v8 =	vld [tilespmem:s3+$0x0];
	_ =	sdelay $0x4  }
0x18d: {  	(v2sf) =	vpush v8, $0x0;
	_ =	sdelay $0xe  }
0x18e: {  	s7 =	spop (v2sf)  }
0x18f: {  	v9 =	vld [tilespmem:s7+$0x0];
	_ =	sdelay $0x4  }
0x190: {  	(v2sf) =	vpush v9, $0x0;
	_ =	sdelay $0xe  }
0x191: {  	s7 =	spop (v2sf)  }
0x192: {  	p4 =	sge.s32 s7, s12;
	p5 =	slt.s32 s7, s9  }
0x193: {  	p4 =	por !p4, !p5  }
0x194: {  	s10 =	simm.s32 $0x1;
	p4 =	por !p4, !p4  }
0x195: {  	s10 =	simm.s32 @!p4 $0x0  }
0x196: {  	s15 =	sadd.s32 $0x0, s10  }
0x197: {  	p5 =	slt.s32 @p4 s15, $0x31  }
0x198: {  	p5 =	por p5, !p4  }
0x199: {  	v8 =	vbroadcast @!p5 v8, $0x0  }
0x19a: {  	s10 =	simm.s32 @!p5 $0x3  }
0x19b: {  	s11 =	simm.s32 @!p5 $0x10;
	s20 =	simm.s32 @!p5 $0x16680;
	s22 =	simm.s32 @!p5 $0x15E80;
	[tilespmem:$0x16680] =	vst @!p5 v8  }
0x19c: {  	[tilespmem:s22], [sflag:$0x3] =	stream.indirect.gather @!p5 [hbm4b:s6+s11], $0x80, s20, s11, $0xb8;
	[tilespmem:$0x1F080] =	vst v63  }
0x19d: {  	_ =	swait.ge @!p5 [sflag:s10], $0x800  }
0x19e: {  	[sflag:s10] =	ssyncset.done @!p5 $0x0  }
0x19f: {  	[sflag:s10] =	ssyncadd.s32 @!p5 $0xFFFFF800  }
0x1a0: {  	v8 =	vld @!p5 [tilespmem:$0x15E80];
	_ =	sdelay $0x1  }
0x1a1: {  	s7 =	ssub.s32 @!p5 s7, s12  }
0x1a2: {  	s7 =	sshll.u32 @!p5 s7, $0x9  }
0x1a3: {  	s22 =	sshra.s32 @!p5 s7, $0x2  }
0x1a4: {  	[tilespmem:s22+$0x4080] =	vst.add.f32.msk @!p5 $0xffff, v8  }
0x1a5: {  	v8 =	vld @!p5 [tilespmem:$0x15E90];
	_ =	sdelay $0x4  }
0x1a6: {  	[tilespmem:s22+$0x4090] =	vst.add.f32.msk @!p5 $0xffff, v8  }
0x1a7: {  	v8 =	vld @!p5 [tilespmem:$0x15EA0];
	_ =	sdelay $0x4  }
0x1a8: {  	[tilespmem:s22+$0x40A0] =	vst.add.f32.msk @!p5 $0xffff, v8  }
0x1a9: {  	v8 =	vld @!p5 [tilespmem:$0x15EB0];
	_ =	sdelay $0x4  }
0x1aa: {  	[tilespmem:s22+$0x40B0] =	vst.add.f32.msk @!p5 $0xffff, v8  }
0x1ab: {  	v8 =	vld @!p5 [tilespmem:$0x15EC0];
	_ =	sdelay $0x4  }
0x1ac: {  	[tilespmem:s22+$0x40C0] =	vst.add.f32.msk @!p5 $0xffff, v8  }
0x1ad: {  	v8 =	vld @!p5 [tilespmem:$0x15ED0];
	_ =	sdelay $0x4  }
0x1ae: {  	[tilespmem:s22+$0x40D0] =	vst.add.f32.msk @!p5 $0xffff, v8  }
0x1af: {  	s20 =	sadd.s32 $0xFFFFFFFF, s26;
	v8 =	vld @!p5 [tilespmem:$0x15EE0]  }
0x1b0: {  	p4 =	sne.s32 s20, $0x0  }
.Ltmp21:
0x1b1: {  	_ = 	snop;
	(pc) =	sbr.rel @!p4 .LBB2_28-.Ltmp21, $3  }
0x1b2: {  	_ =	sdelay $0x1  }
0x1b3: {  	[tilespmem:s22+$0x40E0] =	vst.add.f32.msk @!p5 $0xffff, v8  }
0x1b4: {  	v8 =	vld @!p5 [tilespmem:$0x15EF0]  }
.LBB2_27:
0x1b5: {  	_ =	sdelay $0x3  }
0x1b6: {  	s20 =	sadd.s32 $0xFFFFFFFF, s20;
	s3 =	sadd.s32 $0x1, s3;
	[tilespmem:s22+$0x40F0] =	vst.add.f32.msk @!p5 $0xffff, v8  }
0x1b7: {  	p4 =	sne.s32 s20, $0x0;
	v8 =	vld [tilespmem:s3+$0x0];
	_ =	sdelay $0x4  }
0x1b8: {  	(v2sf) =	vpush v8, $0x0;
	_ =	sdelay $0xe  }
0x1b9: {  	s7 =	spop (v2sf)  }
0x1ba: {  	v9 =	vld [tilespmem:s7+$0x0];
	_ =	sdelay $0x4  }
0x1bb: {  	(v2sf) =	vpush v9, $0x0;
	_ =	sdelay $0xe  }
0x1bc: {  	s7 =	spop (v2sf)  }
0x1bd: {  	p5 =	sge.s32 s7, s12;
	p6 =	slt.s32 s7, s9  }
0x1be: {  	p5 =	por !p5, !p6  }
0x1bf: {  	s10 =	simm.s32 $0x1;
	p5 =	por !p5, !p5  }
0x1c0: {  	s10 =	simm.s32 @!p5 $0x0  }
0x1c1: {  	s15 =	sadd.s32 s10, s15  }
0x1c2: {  	p6 =	slt.s32 @p5 s15, $0x31  }
0x1c3: {  	p5 =	por p6, !p5  }
0x1c4: {  	v8 =	vbroadcast @!p5 v8, $0x0;
	s7 =	ssub.s32 @!p5 s7, s12  }
0x1c5: {  	s10 =	simm.s32 @!p5 $0x3;
	s7 =	sshll.u32 @!p5 s7, $0x9  }
0x1c6: {  	s11 =	simm.s32 @!p5 $0x10;
	s22 =	simm.s32 @!p5 $0x16680;
	s23 =	simm.s32 @!p5 $0x15E80;
	[tilespmem:$0x16680] =	vst @!p5 v8  }
0x1c7: {  	[tilespmem:s23], [sflag:$0x3] =	stream.indirect.gather @!p5 [hbm4b:s6+s11], $0x80, s22, s11, $0xb8;
	[tilespmem:$0x1F080] =	vst v63  }
0x1c8: {  	_ =	swait.ge @!p5 [sflag:s10], $0x800  }
0x1c9: {  	[sflag:s10] =	ssyncset.done @!p5 $0x0  }
0x1ca: {  	[sflag:s10] =	ssyncadd.s32 @!p5 $0xFFFFF800  }
0x1cb: {  	v8 =	vld @!p5 [tilespmem:$0x15E80];
	_ =	sdelay $0x3  }
0x1cc: {  	s22 =	sshra.s32 @!p5 s7, $0x2  }
0x1cd: {  	[tilespmem:s22+$0x4080] =	vst.add.f32.msk @!p5 $0xffff, v8  }
0x1ce: {  	v8 =	vld @!p5 [tilespmem:$0x15E90];
	_ =	sdelay $0x4  }
0x1cf: {  	[tilespmem:s22+$0x4090] =	vst.add.f32.msk @!p5 $0xffff, v8  }
0x1d0: {  	v8 =	vld @!p5 [tilespmem:$0x15EA0];
	_ =	sdelay $0x4  }
0x1d1: {  	[tilespmem:s22+$0x40A0] =	vst.add.f32.msk @!p5 $0xffff, v8  }
0x1d2: {  	v8 =	vld @!p5 [tilespmem:$0x15EB0];
	_ =	sdelay $0x4  }
0x1d3: {  	[tilespmem:s22+$0x40B0] =	vst.add.f32.msk @!p5 $0xffff, v8  }
0x1d4: {  	v8 =	vld @!p5 [tilespmem:$0x15EC0];
	_ =	sdelay $0x4  }
0x1d5: {  	[tilespmem:s22+$0x40C0] =	vst.add.f32.msk @!p5 $0xffff, v8  }
0x1d6: {  	v8 =	vld @!p5 [tilespmem:$0x15ED0];
	_ =	sdelay $0x4  }
0x1d7: {  	[tilespmem:s22+$0x40D0] =	vst.add.f32.msk @!p5 $0xffff, v8  }
0x1d8: {  	v8 =	vld @!p5 [tilespmem:$0x15EE0];
	_ =	sdelay $0x1  }
.Ltmp22:
0x1d9: {  	(pc) =	sbr.rel @p4 .LBB2_27-.Ltmp22, $3  }
0x1da: {  	_ =	sdelay $0x1  }
0x1db: {  	[tilespmem:s22+$0x40E0] =	vst.add.f32.msk @!p5 $0xffff, v8  }
0x1dc: {  	v8 =	vld @!p5 [tilespmem:$0x15EF0]  }
.LBB2_28:
0x1dd: {  	_ =	sdelay $0x3  }
0x1de: {  	[tilespmem:s22+$0x40F0] =	vst.add.f32.msk @!p5 $0xffff, v8  }
.LBB2_29:
0x1df: {  	s3 =	simm.s32 @p2 $0x1  }
0x1e0: {  	_ =	swait.ge @p2 [sflag:s3], $0x1400  }
0x1e1: {  	[sflag:s3] =	ssyncset.done @p2 $0x0  }
0x1e2: {  	[sflag:s3] =	ssyncadd.s32 @p2 $0xFFFFEC00;
	s3 =	simm.s32 @p2 $0x2  }
0x1e3: {  	_ =	swait.ge @p2 [sflag:s3], $0x1400  }
0x1e4: {  	[sflag:s3] =	ssyncset.done @p2 $0x0  }
0x1e5: {  	[sflag:s3] =	ssyncadd.s32 @p2 $0xFFFFEC00;
	s3 =	simm.s32 @!p2 $0x1  }
0x1e6: {  	_ =	swait.ge @!p2 [sflag:s3], $0x4400  }
.Ltmp23:
0x1e7: {  	[sflag:s3] =	ssyncset.done @!p2 $0x0;
	(pc) =	sbr.rel @p3 .LBB2_33-.Ltmp23, $4  }
0x1e8: {  	[sflag:s3] =	ssyncadd.s32 @!p2 $0xFFFFBC00;
	s3 =	simm.s32 @!p2 $0x2  }
0x1e9: {  	_ =	swait.ge @!p2 [sflag:s3], $0x4400  }
0x1ea: {  	[sflag:s3] =	ssyncset.done @!p2 $0x0  }
0x1eb: {  	[sflag:s3] =	ssyncadd.s32 @!p2 $0xFFFFBC00  }
0x1ec: {  	s9 =	simm.s32 $0x1EF00  }
0x1ed: {  	v8 =	vld [tilespmem:s9+$0x0];
	_ =	sdelay $0x4  }
0x1ee: {  	(v2sf) =	vpush v8, $0x0;
	_ =	sdelay $0xe  }
0x1ef: {  	s3 =	spop (v2sf)  }
0x1f0: {  	s7 =	sadd.s32 s3, s13  }
0x1f1: {  	v13 =	vld.msk [tilespmem:s7+$0x0 ss:$0x0], $0xffff;
	_ =	sdelay $0x1  }
0x1f2: {  	s3 =	sshll.u32 s3, $0x7  }
0x1f3: {  	v11 =	vld [tilespmem:s3+$0x1AB20]  }
0x1f4: {  	v8 =	vld [tilespmem:s3+$0x1AB30]  }
0x1f5: {  	v10 =	vld [tilespmem:s3+$0x16720];
	(erf) = vrcp.f32 v13  }
0x1f6: {  	p3 =	sne.s32 s14, $0x1;
	v9 =	vld [tilespmem:s3+$0x16710]  }
.Ltmp24:
0x1f7: {  	v12 =	vld [tilespmem:s3+$0x4080];
	(pc) =	sbr.rel @!p3 .LBB2_32-.Ltmp24, $4  }
0x1f8: {  	v16 =	vld [tilespmem:s3+$0x16700]  }
0x1f9: {  	v15 =	vld [tilespmem:s3+$0x16730]  }
0x1fa: {  	v14 =	vld [tilespmem:s3+$0x40B0]  }
0x1fb: {  	s14 =	sadd.s32 $0xFFFFFFFF, s14;
	v13 =	vld [tilespmem:s3+$0x40A0]  }
.LBB2_31:
0x1fc: {  	p3 =	sne.s32 s14, $0x1;
	s14 =	sadd.s32 $0xFFFFFFFF, s14;
	v17 =	vld [tilespmem:s3+$0x40E0];
	v8 =	vmul.f32 $8.999999760e-01, v8;
	s9 =	sadd.s32 $0x1, s9  }
0x1fd: {  	v16 =	vmul.f32 $8.999999760e-01, v16;
	v18 =	vld [tilespmem:s3+$0x1AB10]  }
0x1fe: {  	v19 =	vld [tilespmem:s3+$0x4090];
	v15 =	vmul.f32 $8.999999760e-01, v15;
	v20 =	vpop (erf)  }
0x1ff: {  	v9 =	vmul.f32 $8.999999760e-01, v9;
	v20 =	vmul.f32 $1.000000010e-01, v20;
	v21 =	vld [tilespmem:s3+$0x40D0]  }
0x200: {  	v10 =	vmul.f32 $8.999999760e-01, v10;
	v11 =	vmul.f32 $8.999999760e-01, v11;
	v22 =	vld [tilespmem:s3+$0x40C0]  }
0x201: {  	v23 =	vld [tilespmem:s3+$0x1AB00];
	v17 =	vmul.f32 v17, v20  }
0x202: {  	v12 =	vmul.f32 v20, v12;
	v24 =	vld [tilespmem:s3+$0x40F0]  }
0x203: {  	v14 =	vmul.f32 v14, v20;
	v11 =	vadd.f32 v17, v11  }
0x204: {  	v13 =	vmul.f32 v13, v20;
	v12 =	vadd.f32 v12, v16;
	v16 =	vmul.f32 v21, v20  }
0x205: {  	v18 =	vmul.f32 $8.999999760e-01, v18;
	v17 =	vmul.f32 v22, v20;
	[tilespmem:s3+$0x1AB20] =	vst v11;
	v11 =	vadd.f32 v14, v15  }
0x206: {  	v10 =	vadd.f32 v13, v10;
	v14 =	vmul.f32 v19, v20;
	[tilespmem:s3+$0x16700] =	vst v12;
	v12 =	vmul.f32 $8.999999760e-01, v23  }
0x207: {  	v13 =	vadd.f32 v16, v18;
	[tilespmem:s3+$0x16730] =	vst v11;
	v11 =	vmul.f32 v24, v20  }
0x208: {  	v9 =	vadd.f32 v14, v9;
	v12 =	vadd.f32 v17, v12;
	[tilespmem:s3+$0x16720] =	vst v10  }
0x209: {  	[tilespmem:s3+$0x1AB10] =	vst v13;
	v8 =	vadd.f32 v11, v8  }
0x20a: {  	[tilespmem:s3+$0x1AB00] =	vst v12  }
0x20b: {  	[tilespmem:s3+$0x16710] =	vst v9  }
0x20c: {  	[tilespmem:s3+$0x1AB30] =	vst v8  }
0x20d: {  	v8 =	vld [tilespmem:s9+$0x0];
	_ =	sdelay $0x4  }
0x20e: {  	(v2sf) =	vpush v8, $0x0;
	_ =	sdelay $0xe  }
0x20f: {  	s3 =	spop (v2sf)  }
0x210: {  	s7 =	sadd.s32 s3, s13  }
0x211: {  	v9 =	vld.msk [tilespmem:s7+$0x0 ss:$0x0], $0xffff;
	_ =	sdelay $0x2  }
0x212: {  	s3 =	sshll.u32 s3, $0x7  }
0x213: {  	v11 =	vld [tilespmem:s3+$0x1AB20]  }
0x214: {  	v8 =	vld [tilespmem:s3+$0x1AB30]  }
0x215: {  	v10 =	vld [tilespmem:s3+$0x16720];
	(erf) = vrcp.f32 v9  }
0x216: {  	v9 =	vld [tilespmem:s3+$0x16710]  }
.Ltmp25:
0x217: {  	v12 =	vld [tilespmem:s3+$0x4080];
	(pc) =	sbr.rel @p3 .LBB2_31-.Ltmp25, $4  }
0x218: {  	v16 =	vld [tilespmem:s3+$0x16700]  }
0x219: {  	v15 =	vld [tilespmem:s3+$0x16730]  }
0x21a: {  	v14 =	vld [tilespmem:s3+$0x40B0]  }
0x21b: {  	v13 =	vld [tilespmem:s3+$0x40A0]  }
.LBB2_32:
0x21c: {  	v17 =	vld [tilespmem:s3+$0x40E0];
	_ =	sdelay $0x1  }
0x21d: {  	v18 =	vld [tilespmem:s3+$0x1AB10];
	v19 =	vpop (erf)  }
0x21e: {  	v20 =	vld [tilespmem:s3+$0x40D0];
	v19 =	vmul.f32 $1.000000010e-01, v19  }
0x21f: {  	v21 =	vld [tilespmem:s3+$0x40C0]  }
0x220: {  	v11 =	vmul.f32 $8.999999760e-01, v11;
	v23 =	vld [tilespmem:s3+$0x4090];
	v17 =	vmul.f32 v17, v19  }
0x221: {  	v24 =	vld [tilespmem:s3+$0x40F0];
	v16 =	vmul.f32 $8.999999760e-01, v16;
	v12 =	vmul.f32 v19, v12  }
0x222: {  	v22 =	vld [tilespmem:s3+$0x1AB00];
	v15 =	vmul.f32 $8.999999760e-01, v15;
	v14 =	vmul.f32 v14, v19;
	v11 =	vadd.f32 v17, v11  }
0x223: {  	v10 =	vmul.f32 $8.999999760e-01, v10;
	v13 =	vmul.f32 v13, v19;
	v12 =	vadd.f32 v12, v16  }
0x224: {  	v56 =	vmul.f32 v20, v19;
	v57 =	vmul.f32 $8.999999760e-01, v18;
	v58 =	vadd.f32 v14, v15;
	[tilespmem:s3+$0x1AB20] =	vst v11  }
0x225: {  	v9 =	vmul.f32 $8.999999760e-01, v9;
	v61 =	vmul.f32 v23, v19;
	v10 =	vadd.f32 v13, v10;
	[tilespmem:s3+$0x16700] =	vst v12  }
0x226: {  	v8 =	vmul.f32 $8.999999760e-01, v8;
	v63 =	vmul.f32 v24, v19;
	v62 =	vadd.f32 v56, v57;
	[tilespmem:s3+$0x16730] =	vst v58  }
0x227: {  	v59 =	vmul.f32 v21, v19;
	v60 =	vmul.f32 $8.999999760e-01, v22;
	v9 =	vadd.f32 v61, v9;
	[tilespmem:s3+$0x16720] =	vst v10  }
0x228: {  	v8 =	vadd.f32 v63, v8;
	[tilespmem:s3+$0x1AB10] =	vst v62  }
0x229: {  	v12 =	vadd.f32 v59, v60;
	[tilespmem:s3+$0x16710] =	vst v9  }
0x22a: {  	[tilespmem:s3+$0x1AB30] =	vst v8  }
0x22b: {  	[tilespmem:s3+$0x1AB00] =	vst v12  }
.LBB2_33:
.Ltmp26:
0x22c: {  	(pc) =	sbr.rel @p2 .LBB2_38-.Ltmp26, $1  }
0x22d: {  	_ =	sdelay $0x3  }
0x22e: {  	s3 =	sshll.u32 s12, $0x4  }
0x22f: {  	s9 =	simm.s32 $0x16700;
	s7 =	sadd.s32 s8, s3;
	s3 =	sand.u32 $0x1FFFFFF0, s3  }
0x230: {  	[hbm4b:s7+s4] =	stream.linear.scatter [tilespmem:s9], [sflag:$0x1], $0x4400, $0x38;
	[tilespmem:$0x1F080] =	vst v63  }
0x231: {  	s3 =	sadd.s32 s8, s3  }
0x232: {  	s25 =	simm.s32 $0x1AB00;
	s3 =	sadd.s32 $0x186A00, s3  }
0x233: {  	[hbm4b:s3+s4] =	stream.linear.scatter [tilespmem:s25], [sflag:$0x2], $0x4400, $0x38;
	[tilespmem:$0x1F080] =	vst v63  }
0x234: {  	_ =	swait.ge [sflag:s17], $0x4400  }
.Ltmp27:
0x235: {  	[sflag:s17] =	ssyncset.done $0x0;
	(pc) =	sbr.rel .LBB2_35-.Ltmp27, $4  }
0x236: {  	[sflag:s17] =	ssyncadd.s32 $0xFFFFBC00  }
0x237: {  	_ =	swait.ge [sflag:s24], $0x4400  }
0x238: {  	[sflag:s24] =	ssyncset.done $0x0  }
0x239: {  	[sflag:s24] =	ssyncadd.s32 $0xFFFFBC00  }
.LBB2_21:
.Ltmp28:
0x23a: {  	(pc) =	sbr.rel .LBB2_25-.Ltmp28, $2  }
0x23b: {  	_ =	sdelay $0x2  }
0x23c: {  	s3 =	smov.u32 s20  }
.LBB2_23:
.Ltmp29:
0x23d: {  	(pc) =	sbr.rel .LBB2_25-.Ltmp29, $2  }
0x23e: {  	_ =	sdelay $0x2  }
0x23f: {  	s3 =	smov.u32 s20  }
.LBB2_9:
.Ltmp30:
0x240: {  	(pc) =	sbr.rel .LBB2_11-.Ltmp30, $2  }
0x241: {  	_ =	sdelay $0x2  }
0x242: {  	s15 =	simm.s32 $0x8C80;
	s14 =	simm.s32 $0x0  }
.LBB2_37:
0x243: {  	_ =	sfence.sel $0x180000  }
0x244: {  	[bflag:$0x0] =	sbarrier.arrive $0xFFFF  }
0x245: {  	_ =	strace $0x90000047  }
0x246: {  	s0 =	stileid.u32;
	[bflag:$0x2] =	sbarrier.arrive $0xFFFF  }
0x247: {  	p0 =	sne.s32 s0, $0x0;
	s0 =	rddreg [dreg:$0x3]  }
0x248: {  	s0 =	sadd.s32 @!p0 $0x100000, s0  }
0x249: {  	[sflag:s0] =	ssyncadd.tile.s32 @!p0 $0x1;
	_ =	shalt  }
.Lfunc_end2:
_tile_overlayer_lowered:
.L_overlay_start_2:
0x24a: {  	(tag) =	ssettag $0x2  }
0x24b: {  	s0 =	rddreg [dreg:$0x0];
	s2 =	stileid.u32  }
0x24c: {  	s1 =	rddreg [dreg:$0x1];
	p0 =	sne.s32 s2, $0x0  }
0x24d: {  	s3 =	rddreg [dreg:$0x2];
	[bflag:$0x3] =	sbarrier.arrive $0xFFFF;
	s2 =	simm.s32 @!p0 $0x1C0A  }
0x24e: {  	[timem:s3], [sflag:s2] =	dma.local @!p0 [hbm:s0], s1  }
0x24f: {  	s0 =	simm.s32 @!p0 $0xA  }
0x250: {  	_ =	swait.ge @!p0 [sflag:s0], s1  }
0x251: {  	s1 =	ssub.s32 @!p0 $0x0, s1;
	[sflag:s0] =	ssyncset.done @!p0 $0x0  }
0x252: {  	[sflag:s0] =	ssyncadd.s32 @!p0 s1  }
0x253: {  	[bflag:$0x3] =	sbarrier.arrive $0xFFFF  }
0x254: {  	_ =	shalt  }

</sc_bundles>
